<compile_context>
chip_gen: v7x
topology: tpu7x:2x2x1
jax: 0.10.2.dev20260603
libtpu: 0.0.44.dev20260713+nightly
codegen_flags: <defaults>
</compile_context>

<pallas_src>
import functools

import jax
import jax.numpy as jnp
from jax import lax
from jax.experimental import pallas as pl
from jax.experimental.pallas import tpu as pltpu
from jax.experimental.pallas import tpu_sc as plsc

NC = 2
NS = 16
D = 128
BLK = 256
CW = 128


def _mesh():
    return plsc.VectorSubcoreMesh(core_axis_name="c", subcore_axis_name="s")


def _sc_params():
    return pltpu.CompilerParams(needs_layout_passes=False)


def _sc_cnt(n_pad, ch):
    zrows = n_pad // NS

    def body(dst_hbm, zeros_hbm, ones_hbm, cnt_out, didx_v, ones_v, cnt_sh, sem):
        c = lax.axis_index("c")
        s = lax.axis_index("s")
        pltpu.sync_copy(dst_hbm.at[c, s], didx_v)
        pltpu.sync_copy(ones_hbm, ones_v)
        pltpu.sync_copy(zeros_hbm, cnt_sh.at[pl.ds(s * zrows, zrows)])
        plsc.subcore_barrier()

        def step(j, carry):
            pltpu.sync_copy(ones_v, cnt_sh.at[didx_v.at[j]], add=True)
            return carry

        lax.fori_loop(0, ch, step, 0)
        plsc.subcore_barrier()
        pltpu.sync_copy(cnt_sh.at[pl.ds(s * zrows, zrows)],
                        cnt_out.at[c, pl.ds(s * zrows, zrows)])

    return pl.kernel(
        body,
        out_type=jax.ShapeDtypeStruct((NC, n_pad, D), jnp.float32),
        mesh=_mesh(),
        compiler_params=_sc_params(),
        scratch_types=[
            pltpu.VMEM((ch, CW), jnp.int32),
            pltpu.VMEM((CW, D), jnp.float32),
            pltpu.VMEM_SHARED((n_pad, D), jnp.float32),
            pltpu.SemaphoreType.DMA,
        ],
    )


def _sc_scatter(n_pad, ch0, ch1):
    zrows = n_pad // NS
    chm = max(ch0, ch1)

    def body(u_hbm, src0_hbm, dst0_hbm, src1_hbm, dst1_hbm, zeros_hbm, acc_out,
             sidx_v, didx_v, rows_v, acc_sh, sem):
        c = lax.axis_index("c")
        s = lax.axis_index("s")
        pltpu.sync_copy(zeros_hbm, acc_sh.at[pl.ds(s * zrows, zrows)])

        def step(j, carry):
            pltpu.async_copy(u_hbm.at[sidx_v.at[j]], rows_v, sem).wait()
            pltpu.sync_copy(rows_v, acc_sh.at[didx_v.at[j]], add=True)
            return carry

        @pl.when(c == 0)
        def _():
            pltpu.sync_copy(src0_hbm.at[s], sidx_v.at[pl.ds(0, ch0)])
            pltpu.sync_copy(dst0_hbm.at[s], didx_v.at[pl.ds(0, ch0)])
            plsc.subcore_barrier()
            lax.fori_loop(0, ch0, step, 0)

        @pl.when(c == 1)
        def _():
            pltpu.sync_copy(src1_hbm.at[s], sidx_v.at[pl.ds(0, ch1)])
            pltpu.sync_copy(dst1_hbm.at[s], didx_v.at[pl.ds(0, ch1)])
            plsc.subcore_barrier()
            lax.fori_loop(0, ch1, step, 0)

        plsc.subcore_barrier()
        pltpu.sync_copy(acc_sh.at[pl.ds(s * zrows, zrows)],
                        acc_out.at[c, pl.ds(s * zrows, zrows)])

    return pl.kernel(
        body,
        out_type=jax.ShapeDtypeStruct((NC, n_pad, D), jnp.float32),
        mesh=_mesh(),
        compiler_params=_sc_params(),
        scratch_types=[
            pltpu.VMEM((chm, CW), jnp.int32),
            pltpu.VMEM((chm, CW), jnp.int32),
            pltpu.VMEM((CW, D), jnp.float32),
            pltpu.VMEM_SHARED((n_pad, D), jnp.float32),
            pltpu.SemaphoreType.DMA,
        ],
    )


def _sc_decode(ch2):
    def body(z_hbm, sidx_hbm, ridx_hbm, out_hbm,
             sidx_v, ridx_v, srows_v, rrows_v, out_v, sem):
        c = lax.axis_index("c")
        s = lax.axis_index("s")
        pltpu.sync_copy(sidx_hbm.at[c, s], sidx_v)
        pltpu.sync_copy(ridx_hbm.at[c, s], ridx_v)

        lanes = lax.iota(jnp.int32, 16)

        def step(j, carry):
            pltpu.async_copy(z_hbm.at[sidx_v.at[j]], srows_v, sem).wait()
            pltpu.async_copy(z_hbm.at[ridx_v.at[j]], rrows_v, sem).wait()

            def gdot(g, carry2):
                def edot(i, acc16):
                    e = g * 16 + i
                    p = srows_v[e, pl.ds(0, 16)] * rrows_v[e, pl.ds(0, 16)]
                    for k in range(1, 8):
                        p = p + (srows_v[e, pl.ds(k * 16, 16)] *
                                 rrows_v[e, pl.ds(k * 16, 16)])
                    return jnp.where(lanes == i, jnp.sum(p), acc16)

                acc16 = lax.fori_loop(0, 16, edot,
                                      jnp.zeros((16,), jnp.float32))
                out_v[j, pl.ds(g * 16, 16)] = acc16
                return carry2

            lax.fori_loop(0, CW // 16, gdot, 0)
            return carry

        lax.fori_loop(0, ch2, step, 0)
        pltpu.sync_copy(out_v, out_hbm.at[c, s])

    return pl.kernel(
        body,
        out_type=jax.ShapeDtypeStruct((NC, NS, ch2, CW), jnp.float32),
        mesh=_mesh(),
        compiler_params=_sc_params(),
        scratch_types=[
            pltpu.VMEM((ch2, CW), jnp.int32),
            pltpu.VMEM((ch2, CW), jnp.int32),
            pltpu.VMEM((CW, D), jnp.float32),
            pltpu.VMEM((CW, D), jnp.float32),
            pltpu.VMEM((ch2, CW), jnp.float32),
            pltpu.SemaphoreType.DMA,
        ],
    )


def _dis(c0, c1):
    return lax.rsqrt(1.0 + c0 + c1)


def _tc_mm1_body(x_ref, w_ref, c0_ref, c1_ref, o_ref):
    dis = _dis(c0_ref[...], c1_ref[...])
    o_ref[...] = dis * jnp.dot(x_ref[...], w_ref[...],
                               preferred_element_type=jnp.float32)


def _tc_mm2_body(a0_ref, a1_ref, u1_ref, c0_ref, c1_ref, b1_ref, w2_ref, o_ref):
    dis = _dis(c0_ref[...], c1_ref[...])
    h = dis * (a0_ref[...] + a1_ref[...] + u1_ref[...]) + b1_ref[...]
    h = jnp.maximum(h, 0.0)
    o_ref[...] = dis * jnp.dot(h, w2_ref[...],
                               preferred_element_type=jnp.float32)


def _tc_fin_body(a0_ref, a1_ref, u2_ref, c0_ref, c1_ref, b2_ref, o_ref):
    dis = _dis(c0_ref[...], c1_ref[...])
    o_ref[...] = dis * (a0_ref[...] + a1_ref[...] + u2_ref[...]) + b2_ref[...]


def _row_spec():
    return pl.BlockSpec((BLK, D), lambda i: (i, 0))


def _full_spec():
    return pl.BlockSpec((D, D), lambda i: (0, 0))


def _bias_spec():
    return pl.BlockSpec((1, D), lambda i: (0, 0))


def _tc_call(body, n_pad, in_specs):
    return pl.pallas_call(
        body,
        grid=(n_pad // BLK,),
        in_specs=in_specs,
        out_specs=_row_spec(),
        out_shape=jax.ShapeDtypeStruct((n_pad, D), jnp.float32),
    )


def kernel(x, edge_index, edge_label_index, W1, b1, W2, b2):
    n, d = x.shape
    e = edge_index.shape[1]
    el = edge_label_index.shape[1]
    assert d == D

    n_pad = ((n + BLK - 1) // BLK) * BLK
    dummy = n

    epc = NC * NS * CW
    ch = (e + epc - 1) // epc
    e_pad = ch * epc
    ch2 = (el + epc - 1) // epc
    el_pad = ch2 * epc

    cht = 2 * ch
    ch0 = int(round(cht * 0.6))
    ch1 = cht - ch0

    x_p = jnp.pad(x, ((0, n_pad - n), (0, 0)))
    src_f = jnp.pad(edge_index[0], (0, e_pad - e)).reshape(NS, cht, CW)
    dst_f = jnp.pad(edge_index[1], (0, e_pad - e),
                    constant_values=dummy).reshape(NS, cht, CW)
    src0_r, src1_r = src_f[:, :ch0], src_f[:, ch0:]
    dst0_r, dst1_r = dst_f[:, :ch0], dst_f[:, ch0:]
    dst_r = dst_f.reshape(NC, NS, cht // 2, CW)
    sidx_r = jnp.pad(edge_label_index[0], (0, el_pad - el)).reshape(NC, NS, ch2, CW)
    ridx_r = jnp.pad(edge_label_index[1], (0, el_pad - el)).reshape(NC, NS, ch2, CW)

    zeros_rows = jnp.zeros((n_pad // NS, D), jnp.float32)
    ones_rows = jnp.ones((CW, D), jnp.float32)
    b1r = b1.reshape(1, D)
    b2r = b2.reshape(1, D)

    cnt = _sc_cnt(n_pad, ch)(dst_r, zeros_rows, ones_rows)
    c0, c1 = cnt[0], cnt[1]

    u1 = _tc_call(_tc_mm1_body, n_pad,
                  [_row_spec(), _full_spec(), _row_spec(), _row_spec()])(
        x_p, W1, c0, c1)
    a1 = _sc_scatter(n_pad, ch0, ch1)(u1, src0_r, dst0_r, src1_r, dst1_r, zeros_rows)

    u2 = _tc_call(_tc_mm2_body, n_pad,
                  [_row_spec(), _row_spec(), _row_spec(), _row_spec(),
                   _row_spec(), _bias_spec(), _full_spec()])(
        a1[0], a1[1], u1, c0, c1, b1r, W2)
    a2 = _sc_scatter(n_pad, ch0, ch1)(u2, src0_r, dst0_r, src1_r, dst1_r, zeros_rows)

    z = _tc_call(_tc_fin_body, n_pad,
                 [_row_spec(), _row_spec(), _row_spec(), _row_spec(),
                  _row_spec(), _bias_spec()])(
        a2[0], a2[1], u2, c0, c1, b2r)

    dots = _sc_decode(ch2)(z, sidx_r, ridx_r)
    return dots.reshape(-1)[:el]

# --- scband reference (transcript-rebuilt; emitter-appended) ---
"""Pipeline reference for scband-link-predictor-40535901340074 (READ-ONLY COPY).

The authoritative reference and input builder live on the scoring server;
editing this copy changes nothing except your own understanding.
"""

import jax, jax.numpy as jnp
import numpy as np

N = 10000
E = 320000
EL = 100000
D_IN = 128
D_HID = 128
D_OUT = 128


def setup_inputs(seed: int = 0) -> dict:
    key = jax.random.key(seed)
    ks = jax.random.split(key, 8)
    x = jax.random.normal(ks[0], (N, D_IN), dtype=jnp.float32)
    edge_index = jax.random.randint(ks[1], (2, E), 0, N, dtype=jnp.int32)
    edge_label_index = jax.random.randint(ks[2], (2, EL), 0, N, dtype=jnp.int32)
    W1 = jax.random.normal(ks[3], (D_IN, D_HID), dtype=jnp.float32) * (1.0 / np.sqrt(D_IN))
    b1 = jnp.zeros((D_HID,), dtype=jnp.float32)
    W2 = jax.random.normal(ks[4], (D_HID, D_OUT), dtype=jnp.float32) * (1.0 / np.sqrt(D_HID))
    b2 = jnp.zeros((D_OUT,), dtype=jnp.float32)
    return {"x": x, "edge_index": edge_index, "edge_label_index": edge_label_index,
            "W1": W1, "b1": b1, "W2": W2, "b2": b2}


def _gcn_conv(x, edge_index, W, b):
    # PyG GCNConv: linear transform, add self-loops, symmetric normalization, scatter-add, bias
    xw = x @ W
    loop = jnp.arange(N, dtype=edge_index.dtype)
    src = jnp.concatenate([edge_index[0], loop])
    dst = jnp.concatenate([edge_index[1], loop])
    deg = jax.ops.segment_sum(jnp.ones_like(dst, dtype=jnp.float32), dst, num_segments=N)
    deg_inv_sqrt = jnp.where(deg > 0, 1.0 / jnp.sqrt(deg), 0.0)
    norm = deg_inv_sqrt[src] * deg_inv_sqrt[dst]
    msgs = jnp.take(xw, src, axis=0) * norm[:, None]
    out = jax.ops.segment_sum(msgs, dst, num_segments=N)
    return out + b


def reference(x, edge_index, edge_label_index, W1, b1, W2, b2):
    # GNNEncoder: two GCN layers with relu in between
    z = jax.nn.relu(_gcn_conv(x, edge_index, W1, b1))
    z = _gcn_conv(z, edge_index, W2, b2)
    # EdgeDecoder: dot product of sender/receiver embeddings
    senders = jnp.take(z, edge_label_index[0], axis=0)
    receivers = jnp.take(z, edge_label_index[1], axis=0)
    return (senders * receivers).sum(axis=-1)

if __name__ == "__main__":
    import jax
    _d = setup_inputs()
    print(jax.jit(kernel)(*tuple(_d.values())))

</pallas_src>

<mosaic_0001>
#map = affine_map<(d0, d1) -> (0, 0)>
#map1 = affine_map<(d0, d1) -> (0, 0, 0, 0)>
module attributes {stable_mosaic.version = 14 : i64} {
  func.func @body(%arg0: i32, %arg1: i32, %arg2: memref<10240x128xf32, #tpu.memory_space<hbm>>, %arg3: memref<2x16x25x128xi32, #tpu.memory_space<hbm>>, %arg4: memref<2x16x25x128xi32, #tpu.memory_space<hbm>>, %arg5: memref<2x16x25x128xf32, #tpu.memory_space<hbm>>, %arg6: memref<25x128xi32, #tpu.memory_space<vmem>>, %arg7: memref<25x128xi32, #tpu.memory_space<vmem>>, %arg8: memref<128x128xf32, #tpu.memory_space<vmem>>, %arg9: memref<128x128xf32, #tpu.memory_space<vmem>>, %arg10: memref<25x128xf32, #tpu.memory_space<vmem>>, %arg11: memref<!tpu.dma_semaphore, #tpu.memory_space<semaphore_mem>>) attributes {dimension_semantics = [#tpu.dimension_semantics<core_parallel>, #tpu.dimension_semantics<subcore_parallel>], iteration_bounds = array<i64: 2, 16>, scalar_prefetch = 0 : i64, scratch_operands = 6 : i64, tpu.core_type = #tpu.core_type<sc_vector_subcore>, window_params = [{transform_indices = #map}, {transform_indices = #map1}, {transform_indices = #map1}, {transform_indices = #map1}]} {
    "tpu.region"() ({
      %run_scoped3A = tpu.sem_alloc : memref<!tpu.dma_semaphore, #tpu.memory_space<semaphore_mem>>
      %dma_start3A = arith.constant 0 : i32
      %dma_start3A_5 = arith.constant 0 : i32
      %dma_start3A_6 = tpu.memref_slice %arg3[%arg0, %arg1, %dma_start3A, %dma_start3A_5] : memref<2x16x25x128xi32, #tpu.memory_space<hbm>> -> memref<1x1x25x128xi32, #tpu.memory_space<hbm>>
      %dma_start3A_7 = tpu.memref_squeeze %dma_start3A_6 : memref<1x1x25x128xi32, #tpu.memory_space<hbm>> -> memref<25x128xi32, #tpu.memory_space<hbm>>
      %dma_start3A_8 = arith.constant 0 : i32
      %dma_start3A_9 = arith.constant 0 : i32
      %dma_start3A_10 = tpu.memref_slice %arg3[%arg0, %arg1, %dma_start3A_8, %dma_start3A_9] : memref<2x16x25x128xi32, #tpu.memory_space<hbm>> -> memref<1x1x25x128xi32, #tpu.memory_space<hbm>>
      %dma_start3A_11 = tpu.memref_squeeze %dma_start3A_10 : memref<1x1x25x128xi32, #tpu.memory_space<hbm>> -> memref<25x128xi32, #tpu.memory_space<hbm>>
      tpu.enqueue_dma source(%dma_start3A_11 : memref<25x128xi32, #tpu.memory_space<hbm>>) target(%arg6 : memref<25x128xi32, #tpu.memory_space<vmem>>) target_semaphore(%run_scoped3A : memref<!tpu.dma_semaphore, #tpu.memory_space<semaphore_mem>>)
      %dma_wait3A = arith.constant 0 : i32
      %dma_wait3A_12 = arith.constant 0 : i32
      %dma_wait3A_13 = tpu.memref_slice %arg3[%arg0, %arg1, %dma_wait3A, %dma_wait3A_12] : memref<2x16x25x128xi32, #tpu.memory_space<hbm>> -> memref<1x1x25x128xi32, #tpu.memory_space<hbm>>
      %dma_wait3A_14 = tpu.memref_squeeze %dma_wait3A_13 : memref<1x1x25x128xi32, #tpu.memory_space<hbm>> -> memref<25x128xi32, #tpu.memory_space<hbm>>
      %dma_wait3A_15 = arith.constant 0 : i32
      %dma_wait3A_16 = arith.constant 0 : i32
      %dma_wait3A_17 = tpu.memref_slice %arg3[%arg0, %arg1, %dma_wait3A_15, %dma_wait3A_16] : memref<2x16x25x128xi32, #tpu.memory_space<hbm>> -> memref<1x1x25x128xi32, #tpu.memory_space<hbm>>
      %dma_wait3A_18 = tpu.memref_squeeze %dma_wait3A_17 : memref<1x1x25x128xi32, #tpu.memory_space<hbm>> -> memref<25x128xi32, #tpu.memory_space<hbm>>
      tpu.wait_dma2 semaphore(%run_scoped3A : memref<!tpu.dma_semaphore, #tpu.memory_space<semaphore_mem>>) src(%dma_wait3A_18 : memref<25x128xi32, #tpu.memory_space<hbm>>) dst(%arg6 : memref<25x128xi32, #tpu.memory_space<vmem>>)
      tpu.yield
    }) : () -> ()
    "tpu.region"() ({
      %run_scoped3A = tpu.sem_alloc : memref<!tpu.dma_semaphore, #tpu.memory_space<semaphore_mem>>
      %dma_start3A = arith.constant 0 : i32
      %dma_start3A_5 = arith.constant 0 : i32
      %dma_start3A_6 = tpu.memref_slice %arg4[%arg0, %arg1, %dma_start3A, %dma_start3A_5] : memref<2x16x25x128xi32, #tpu.memory_space<hbm>> -> memref<1x1x25x128xi32, #tpu.memory_space<hbm>>
      %dma_start3A_7 = tpu.memref_squeeze %dma_start3A_6 : memref<1x1x25x128xi32, #tpu.memory_space<hbm>> -> memref<25x128xi32, #tpu.memory_space<hbm>>
      %dma_start3A_8 = arith.constant 0 : i32
      %dma_start3A_9 = arith.constant 0 : i32
      %dma_start3A_10 = tpu.memref_slice %arg4[%arg0, %arg1, %dma_start3A_8, %dma_start3A_9] : memref<2x16x25x128xi32, #tpu.memory_space<hbm>> -> memref<1x1x25x128xi32, #tpu.memory_space<hbm>>
      %dma_start3A_11 = tpu.memref_squeeze %dma_start3A_10 : memref<1x1x25x128xi32, #tpu.memory_space<hbm>> -> memref<25x128xi32, #tpu.memory_space<hbm>>
      tpu.enqueue_dma source(%dma_start3A_11 : memref<25x128xi32, #tpu.memory_space<hbm>>) target(%arg7 : memref<25x128xi32, #tpu.memory_space<vmem>>) target_semaphore(%run_scoped3A : memref<!tpu.dma_semaphore, #tpu.memory_space<semaphore_mem>>)
      %dma_wait3A = arith.constant 0 : i32
      %dma_wait3A_12 = arith.constant 0 : i32
      %dma_wait3A_13 = tpu.memref_slice %arg4[%arg0, %arg1, %dma_wait3A, %dma_wait3A_12] : memref<2x16x25x128xi32, #tpu.memory_space<hbm>> -> memref<1x1x25x128xi32, #tpu.memory_space<hbm>>
      %dma_wait3A_14 = tpu.memref_squeeze %dma_wait3A_13 : memref<1x1x25x128xi32, #tpu.memory_space<hbm>> -> memref<25x128xi32, #tpu.memory_space<hbm>>
      %dma_wait3A_15 = arith.constant 0 : i32
      %dma_wait3A_16 = arith.constant 0 : i32
      %dma_wait3A_17 = tpu.memref_slice %arg4[%arg0, %arg1, %dma_wait3A_15, %dma_wait3A_16] : memref<2x16x25x128xi32, #tpu.memory_space<hbm>> -> memref<1x1x25x128xi32, #tpu.memory_space<hbm>>
      %dma_wait3A_18 = tpu.memref_squeeze %dma_wait3A_17 : memref<1x1x25x128xi32, #tpu.memory_space<hbm>> -> memref<25x128xi32, #tpu.memory_space<hbm>>
      tpu.wait_dma2 semaphore(%run_scoped3A : memref<!tpu.dma_semaphore, #tpu.memory_space<semaphore_mem>>) src(%dma_wait3A_18 : memref<25x128xi32, #tpu.memory_space<hbm>>) dst(%arg7 : memref<25x128xi32, #tpu.memory_space<vmem>>)
      tpu.yield
    }) : () -> ()
    %iota3A = tpu.iota {dimensions = array<i32: 0>} : vector<16xi32>
    %scan3A = arith.constant 0 : i32
    %scan3A_0 = arith.constant 0 : i32
    %scan3A_1 = arith.constant 25 : i32
    %scan3A_2 = arith.addi %scan3A_0, %scan3A_1 : i32
    %scan3A_3 = arith.constant 1 : i32
    scf.for %scan3A_5 = %scan3A_0 to %scan3A_2 step %scan3A_3  : i32 {
      %dma_start3A = arith.constant 0 : i32
      %dma_start3A_6 = tpu.memref_slice %arg6[%scan3A_5, %dma_start3A] : memref<25x128xi32, #tpu.memory_space<vmem>> -> memref<1x128xi32, #tpu.memory_space<vmem>>
      %dma_start3A_7 = tpu.memref_squeeze %dma_start3A_6 : memref<1x128xi32, #tpu.memory_space<vmem>> -> memref<128xi32, #tpu.memory_space<vmem>>
      %dma_start3A_8 = arith.constant 0 : i32
      %dma_start3A_9 = arith.constant 0 : i32
      %dma_start3A_10 = tpu.memref_slice %arg2[%dma_start3A_8, %dma_start3A_9] : memref<10240x128xf32, #tpu.memory_space<hbm>> -> memref<10240x128xf32, #tpu.memory_space<hbm>>
      tpu.enqueue_indirect_dma source(%dma_start3A_10 : memref<10240x128xf32, #tpu.memory_space<hbm>>) target(%arg8 : memref<128x128xf32, #tpu.memory_space<vmem>>) offsets(%dma_start3A_7 : memref<128xi32, #tpu.memory_space<vmem>>) semaphore(%arg11 : memref<!tpu.dma_semaphore, #tpu.memory_space<semaphore_mem>>)
      %dma_wait3A = arith.constant 0 : i32
      %dma_wait3A_11 = tpu.memref_slice %arg6[%scan3A_5, %dma_wait3A] : memref<25x128xi32, #tpu.memory_space<vmem>> -> memref<1x128xi32, #tpu.memory_space<vmem>>
      %dma_wait3A_12 = tpu.memref_squeeze %dma_wait3A_11 : memref<1x128xi32, #tpu.memory_space<vmem>> -> memref<128xi32, #tpu.memory_space<vmem>>
      %dma_wait3A_13 = arith.constant 0 : i32
      %dma_wait3A_14 = arith.constant 0 : i32
      %dma_wait3A_15 = tpu.memref_slice %arg2[%dma_wait3A_13, %dma_wait3A_14] : memref<10240x128xf32, #tpu.memory_space<hbm>> -> memref<10240x128xf32, #tpu.memory_space<hbm>>
      tpu.wait_indirect_dma semaphore(%arg11 : memref<!tpu.dma_semaphore, #tpu.memory_space<semaphore_mem>>) src(%dma_wait3A_15 : memref<10240x128xf32, #tpu.memory_space<hbm>>) dst(%arg8 : memref<128x128xf32, #tpu.memory_space<vmem>>)
      %dma_start3A_16 = arith.constant 0 : i32
      %dma_start3A_17 = tpu.memref_slice %arg7[%scan3A_5, %dma_start3A_16] : memref<25x128xi32, #tpu.memory_space<vmem>> -> memref<1x128xi32, #tpu.memory_space<vmem>>
      %dma_start3A_18 = tpu.memref_squeeze %dma_start3A_17 : memref<1x128xi32, #tpu.memory_space<vmem>> -> memref<128xi32, #tpu.memory_space<vmem>>
      %dma_start3A_19 = arith.constant 0 : i32
      %dma_start3A_20 = arith.constant 0 : i32
      %dma_start3A_21 = tpu.memref_slice %arg2[%dma_start3A_19, %dma_start3A_20] : memref<10240x128xf32, #tpu.memory_space<hbm>> -> memref<10240x128xf32, #tpu.memory_space<hbm>>
      tpu.enqueue_indirect_dma source(%dma_start3A_21 : memref<10240x128xf32, #tpu.memory_space<hbm>>) target(%arg9 : memref<128x128xf32, #tpu.memory_space<vmem>>) offsets(%dma_start3A_18 : memref<128xi32, #tpu.memory_space<vmem>>) semaphore(%arg11 : memref<!tpu.dma_semaphore, #tpu.memory_space<semaphore_mem>>)
      %dma_wait3A_22 = arith.constant 0 : i32
      %dma_wait3A_23 = tpu.memref_slice %arg7[%scan3A_5, %dma_wait3A_22] : memref<25x128xi32, #tpu.memory_space<vmem>> -> memref<1x128xi32, #tpu.memory_space<vmem>>
      %dma_wait3A_24 = tpu.memref_squeeze %dma_wait3A_23 : memref<1x128xi32, #tpu.memory_space<vmem>> -> memref<128xi32, #tpu.memory_space<vmem>>
      %dma_wait3A_25 = arith.constant 0 : i32
      %dma_wait3A_26 = arith.constant 0 : i32
      %dma_wait3A_27 = tpu.memref_slice %arg2[%dma_wait3A_25, %dma_wait3A_26] : memref<10240x128xf32, #tpu.memory_space<hbm>> -> memref<10240x128xf32, #tpu.memory_space<hbm>>
      tpu.wait_indirect_dma semaphore(%arg11 : memref<!tpu.dma_semaphore, #tpu.memory_space<semaphore_mem>>) src(%dma_wait3A_27 : memref<10240x128xf32, #tpu.memory_space<hbm>>) dst(%arg9 : memref<128x128xf32, #tpu.memory_space<vmem>>)
      %scan3A_28 = arith.constant 0 : i32
      %scan3A_29 = arith.constant 0 : i32
      %scan3A_30 = arith.constant 8 : i32
      %scan3A_31 = arith.addi %scan3A_29, %scan3A_30 : i32
      %scan3A_32 = arith.constant 1 : i32
      scf.for %scan3A_34 = %scan3A_29 to %scan3A_31 step %scan3A_32  : i32 {
        %broadcast_in_dim3A = arith.constant 0.000000e+00 : f32
        %broadcast_in_dim3A_35 = vector.broadcast %broadcast_in_dim3A : f32 to vector<16xf32>
        %scan3A_36 = arith.constant 0 : i32
        %scan3A_37 = arith.constant 16 : i32
        %scan3A_38 = arith.addi %scan3A_36, %scan3A_37 : i32
        %scan3A_39 = arith.constant 1 : i32
        %scan3A_40 = scf.for %scan3A_45 = %scan3A_36 to %scan3A_38 step %scan3A_39 iter_args(%scan3A_46 = %broadcast_in_dim3A_35) -> (vector<16xf32>)  : i32 {
          %mul3A_47 = arith.constant 16 : i32
          %mul3A_48 = arith.muli %scan3A_34, %mul3A_47 : i32
          %add3A = arith.addi %mul3A_48, %scan3A_45 : i32
          %get3A = arith.index_cast %add3A : i32 to index
          %get3A_49 = arith.constant 0 : index
          %get3A_50 = tpu.vector_load %arg8[%get3A, %get3A_49] {strides = array<i32>} : memref<128x128xf32, #tpu.memory_space<vmem>>, vector<16xf32>,
          %get3A_51 = arith.index_cast %add3A : i32 to index
          %get3A_52 = arith.constant 0 : index
          %get3A_53 = tpu.vector_load %arg9[%get3A_51, %get3A_52] {strides = array<i32>} : memref<128x128xf32, #tpu.memory_space<vmem>>, vector<16xf32>,
          %mul3A_54 = arith.mulf %get3A_50, %get3A_53 : vector<16xf32>
          %get3A_55 = arith.index_cast %add3A : i32 to index
          %get3A_56 = arith.constant 16 : index
          %get3A_57 = tpu.vector_load %arg8[%get3A_55, %get3A_56] {strides = array<i32>} : memref<128x128xf32, #tpu.memory_space<vmem>>, vector<16xf32>,
          %get3A_58 = arith.index_cast %add3A : i32 to index
          %get3A_59 = arith.constant 16 : index
          %get3A_60 = tpu.vector_load %arg9[%get3A_58, %get3A_59] {strides = array<i32>} : memref<128x128xf32, #tpu.memory_space<vmem>>, vector<16xf32>,
          %mul3A_61 = arith.mulf %get3A_57, %get3A_60 : vector<16xf32>
          %add3A_62 = arith.addf %mul3A_54, %mul3A_61 : vector<16xf32>
          %get3A_63 = arith.index_cast %add3A : i32 to index
          %get3A_64 = arith.constant 32 : index
          %get3A_65 = tpu.vector_load %arg8[%get3A_63, %get3A_64] {strides = array<i32>} : memref<128x128xf32, #tpu.memory_space<vmem>>, vector<16xf32>,
          %get3A_66 = arith.index_cast %add3A : i32 to index
          %get3A_67 = arith.constant 32 : index
          %get3A_68 = tpu.vector_load %arg9[%get3A_66, %get3A_67] {strides = array<i32>} : memref<128x128xf32, #tpu.memory_space<vmem>>, vector<16xf32>,
          %mul3A_69 = arith.mulf %get3A_65, %get3A_68 : vector<16xf32>
          %add3A_70 = arith.addf %add3A_62, %mul3A_69 : vector<16xf32>
          %get3A_71 = arith.index_cast %add3A : i32 to index
          %get3A_72 = arith.constant 48 : index
          %get3A_73 = tpu.vector_load %arg8[%get3A_71, %get3A_72] {strides = array<i32>} : memref<128x128xf32, #tpu.memory_space<vmem>>, vector<16xf32>,
          %get3A_74 = arith.index_cast %add3A : i32 to index
          %get3A_75 = arith.constant 48 : index
          %get3A_76 = tpu.vector_load %arg9[%get3A_74, %get3A_75] {strides = array<i32>} : memref<128x128xf32, #tpu.memory_space<vmem>>, vector<16xf32>,
          %mul3A_77 = arith.mulf %get3A_73, %get3A_76 : vector<16xf32>
          %add3A_78 = arith.addf %add3A_70, %mul3A_77 : vector<16xf32>
          %get3A_79 = arith.index_cast %add3A : i32 to index
          %get3A_80 = arith.constant 64 : index
          %get3A_81 = tpu.vector_load %arg8[%get3A_79, %get3A_80] {strides = array<i32>} : memref<128x128xf32, #tpu.memory_space<vmem>>, vector<16xf32>,
          %get3A_82 = arith.index_cast %add3A : i32 to index
          %get3A_83 = arith.constant 64 : index
          %get3A_84 = tpu.vector_load %arg9[%get3A_82, %get3A_83] {strides = array<i32>} : memref<128x128xf32, #tpu.memory_space<vmem>>, vector<16xf32>,
          %mul3A_85 = arith.mulf %get3A_81, %get3A_84 : vector<16xf32>
          %add3A_86 = arith.addf %add3A_78, %mul3A_85 : vector<16xf32>
          %get3A_87 = arith.index_cast %add3A : i32 to index
          %get3A_88 = arith.constant 80 : index
          %get3A_89 = tpu.vector_load %arg8[%get3A_87, %get3A_88] {strides = array<i32>} : memref<128x128xf32, #tpu.memory_space<vmem>>, vector<16xf32>,
          %get3A_90 = arith.index_cast %add3A : i32 to index
          %get3A_91 = arith.constant 80 : index
          %get3A_92 = tpu.vector_load %arg9[%get3A_90, %get3A_91] {strides = array<i32>} : memref<128x128xf32, #tpu.memory_space<vmem>>, vector<16xf32>,
          %mul3A_93 = arith.mulf %get3A_89, %get3A_92 : vector<16xf32>
          %add3A_94 = arith.addf %add3A_86, %mul3A_93 : vector<16xf32>
          %get3A_95 = arith.index_cast %add3A : i32 to index
          %get3A_96 = arith.constant 96 : index
          %get3A_97 = tpu.vector_load %arg8[%get3A_95, %get3A_96] {strides = array<i32>} : memref<128x128xf32, #tpu.memory_space<vmem>>, vector<16xf32>,
          %get3A_98 = arith.index_cast %add3A : i32 to index
          %get3A_99 = arith.constant 96 : index
          %get3A_100 = tpu.vector_load %arg9[%get3A_98, %get3A_99] {strides = array<i32>} : memref<128x128xf32, #tpu.memory_space<vmem>>, vector<16xf32>,
          %mul3A_101 = arith.mulf %get3A_97, %get3A_100 : vector<16xf32>
          %add3A_102 = arith.addf %add3A_94, %mul3A_101 : vector<16xf32>
          %get3A_103 = arith.index_cast %add3A : i32 to index
          %get3A_104 = arith.constant 112 : index
          %get3A_105 = tpu.vector_load %arg8[%get3A_103, %get3A_104] {strides = array<i32>} : memref<128x128xf32, #tpu.memory_space<vmem>>, vector<16xf32>,
          %get3A_106 = arith.index_cast %add3A : i32 to index
          %get3A_107 = arith.constant 112 : index
          %get3A_108 = tpu.vector_load %arg9[%get3A_106, %get3A_107] {strides = array<i32>} : memref<128x128xf32, #tpu.memory_space<vmem>>, vector<16xf32>,
          %mul3A_109 = arith.mulf %get3A_105, %get3A_108 : vector<16xf32>
          %add3A_110 = arith.addf %add3A_102, %mul3A_109 : vector<16xf32>
          %eq3A = vector.broadcast %scan3A_45 : i32 to vector<16xi32>
          %eq3A_111 = arith.cmpi eq, %iota3A, %eq3A : vector<16xi32>
          %reduce_sum3A = arith.constant true
          %reduce_sum3A_112 = vector.broadcast %reduce_sum3A : i1 to vector<16xi1>
          %reduce_sum3A_113 = tpu.scan <sum>, %add3A_110 masked %reduce_sum3A_112 : vector<16xf32>, vector<16xi1> -> vector<16xf32>
          %reduce_sum3A_114 = vector.extract %reduce_sum3A_113[15] : f32 from vector<16xf32>
          %broadcast_in_dim3A_115 = vector.broadcast %reduce_sum3A_114 : f32 to vector<16xf32>
          %select_n3A = arith.select %eq3A_111, %broadcast_in_dim3A_115, %scan3A_46 : vector<16xi1>, vector<16xf32>
          scf.yield %select_n3A : vector<16xf32>
        }
        %scan3A_41 = arith.constant 16 : i32
        %mul3A = arith.constant 16 : i32
        %mul3A_42 = arith.muli %scan3A_34, %mul3A : i32
        %swap3A = arith.index_cast %scan3A_5 : i32 to index
        %swap3A_43 = arith.index_cast %mul3A_42 : i32 to index
        %swap3A_44 = tpu.vector_load %arg10[%swap3A, %swap3A_43] {strides = array<i32>} : memref<25x128xf32, #tpu.memory_space<vmem>>, vector<16xf32>,
        tpu.vector_store %arg10[%swap3A, %swap3A_43], %scan3A_40 {strides = array<i32>} : memref<25x128xf32, #tpu.memory_space<vmem>>, vector<16xf32>,
      }
      %scan3A_33 = arith.constant 8 : i32
    }
    %scan3A_4 = arith.constant 25 : i32
    "tpu.region"() ({
      %run_scoped3A = tpu.sem_alloc : memref<!tpu.dma_semaphore, #tpu.memory_space<semaphore_mem>>
      %dma_start3A = arith.constant 0 : i32
      %dma_start3A_5 = arith.constant 0 : i32
      %dma_start3A_6 = tpu.memref_slice %arg5[%arg0, %arg1, %dma_start3A, %dma_start3A_5] : memref<2x16x25x128xf32, #tpu.memory_space<hbm>> -> memref<1x1x25x128xf32, #tpu.memory_space<hbm>>
      %dma_start3A_7 = tpu.memref_squeeze %dma_start3A_6 : memref<1x1x25x128xf32, #tpu.memory_space<hbm>> -> memref<25x128xf32, #tpu.memory_space<hbm>>
      %dma_start3A_8 = arith.constant 0 : i32
      %dma_start3A_9 = arith.constant 0 : i32
      %dma_start3A_10 = tpu.memref_slice %arg5[%arg0, %arg1, %dma_start3A_8, %dma_start3A_9] : memref<2x16x25x128xf32, #tpu.memory_space<hbm>> -> memref<1x1x25x128xf32, #tpu.memory_space<hbm>>
      %dma_start3A_11 = tpu.memref_squeeze %dma_start3A_10 : memref<1x1x25x128xf32, #tpu.memory_space<hbm>> -> memref<25x128xf32, #tpu.memory_space<hbm>>
      tpu.enqueue_dma source(%arg10 : memref<25x128xf32, #tpu.memory_space<vmem>>) target(%dma_start3A_11 : memref<25x128xf32, #tpu.memory_space<hbm>>) target_semaphore(%run_scoped3A : memref<!tpu.dma_semaphore, #tpu.memory_space<semaphore_mem>>)
      %dma_wait3A = arith.constant 0 : i32
      %dma_wait3A_12 = arith.constant 0 : i32
      %dma_wait3A_13 = tpu.memref_slice %arg5[%arg0, %arg1, %dma_wait3A, %dma_wait3A_12] : memref<2x16x25x128xf32, #tpu.memory_space<hbm>> -> memref<1x1x25x128xf32, #tpu.memory_space<hbm>>
      %dma_wait3A_14 = tpu.memref_squeeze %dma_wait3A_13 : memref<1x1x25x128xf32, #tpu.memory_space<hbm>> -> memref<25x128xf32, #tpu.memory_space<hbm>>
      %dma_wait3A_15 = arith.constant 0 : i32
      %dma_wait3A_16 = arith.constant 0 : i32
      %dma_wait3A_17 = tpu.memref_slice %arg5[%arg0, %arg1, %dma_wait3A_15, %dma_wait3A_16] : memref<2x16x25x128xf32, #tpu.memory_space<hbm>> -> memref<1x1x25x128xf32, #tpu.memory_space<hbm>>
      %dma_wait3A_18 = tpu.memref_squeeze %dma_wait3A_17 : memref<1x1x25x128xf32, #tpu.memory_space<hbm>> -> memref<25x128xf32, #tpu.memory_space<hbm>>
      tpu.wait_dma2 semaphore(%run_scoped3A : memref<!tpu.dma_semaphore, #tpu.memory_space<semaphore_mem>>) src(%arg10 : memref<25x128xf32, #tpu.memory_space<vmem>>) dst(%dma_wait3A_18 : memref<25x128xf32, #tpu.memory_space<hbm>>)
      tpu.yield
    }) : () -> ()
    return
  }
}

#map = affine_map<(d0, d1) -> (0, 0, 0, 0)>
#map1 = affine_map<(d0, d1) -> (0, 0)>
#map2 = affine_map<(d0, d1) -> (0, 0, 0)>
module attributes {stable_mosaic.version = 14 : i64} {
  func.func @body(%arg0: i32, %arg1: i32, %arg2: memref<2x16x79x128xi32, #tpu.memory_space<hbm>>, %arg3: memref<640x128xf32, #tpu.memory_space<hbm>>, %arg4: memref<128x128xf32, #tpu.memory_space<hbm>>, %arg5: memref<2x10240x128xf32, #tpu.memory_space<hbm>>, %arg6: memref<79x128xi32, #tpu.memory_space<vmem>>, %arg7: memref<128x128xf32, #tpu.memory_space<vmem>>, %arg8: memref<10240x128xf32, #tpu.memory_space<vmem_shared>>, %arg9: memref<!tpu.dma_semaphore, #tpu.memory_space<semaphore_mem>>) attributes {dimension_semantics = [#tpu.dimension_semantics<core_parallel>, #tpu.dimension_semantics<subcore_parallel>], iteration_bounds = array<i64: 2, 16>, scalar_prefetch = 0 : i64, scratch_operands = 4 : i64, tpu.core_type = #tpu.core_type<sc_vector_subcore>, window_params = [{transform_indices = #map}, {transform_indices = #map1}, {transform_indices = #map1}, {transform_indices = #map2}]} {
    "tpu.region"() ({
      %run_scoped3A = tpu.sem_alloc : memref<!tpu.dma_semaphore, #tpu.memory_space<semaphore_mem>>
      %dma_start3A = arith.constant 0 : i32
      %dma_start3A_11 = arith.constant 0 : i32
      %dma_start3A_12 = tpu.memref_slice %arg2[%arg0, %arg1, %dma_start3A, %dma_start3A_11] : memref<2x16x79x128xi32, #tpu.memory_space<hbm>> -> memref<1x1x79x128xi32, #tpu.memory_space<hbm>>
      %dma_start3A_13 = tpu.memref_squeeze %dma_start3A_12 : memref<1x1x79x128xi32, #tpu.memory_space<hbm>> -> memref<79x128xi32, #tpu.memory_space<hbm>>
      %dma_start3A_14 = arith.constant 0 : i32
      %dma_start3A_15 = arith.constant 0 : i32
      %dma_start3A_16 = tpu.memref_slice %arg2[%arg0, %arg1, %dma_start3A_14, %dma_start3A_15] : memref<2x16x79x128xi32, #tpu.memory_space<hbm>> -> memref<1x1x79x128xi32, #tpu.memory_space<hbm>>
      %dma_start3A_17 = tpu.memref_squeeze %dma_start3A_16 : memref<1x1x79x128xi32, #tpu.memory_space<hbm>> -> memref<79x128xi32, #tpu.memory_space<hbm>>
      tpu.enqueue_dma source(%dma_start3A_17 : memref<79x128xi32, #tpu.memory_space<hbm>>) target(%arg6 : memref<79x128xi32, #tpu.memory_space<vmem>>) target_semaphore(%run_scoped3A : memref<!tpu.dma_semaphore, #tpu.memory_space<semaphore_mem>>)
      %dma_wait3A = arith.constant 0 : i32
      %dma_wait3A_18 = arith.constant 0 : i32
      %dma_wait3A_19 = tpu.memref_slice %arg2[%arg0, %arg1, %dma_wait3A, %dma_wait3A_18] : memref<2x16x79x128xi32, #tpu.memory_space<hbm>> -> memref<1x1x79x128xi32, #tpu.memory_space<hbm>>
      %dma_wait3A_20 = tpu.memref_squeeze %dma_wait3A_19 : memref<1x1x79x128xi32, #tpu.memory_space<hbm>> -> memref<79x128xi32, #tpu.memory_space<hbm>>
      %dma_wait3A_21 = arith.constant 0 : i32
      %dma_wait3A_22 = arith.constant 0 : i32
      %dma_wait3A_23 = tpu.memref_slice %arg2[%arg0, %arg1, %dma_wait3A_21, %dma_wait3A_22] : memref<2x16x79x128xi32, #tpu.memory_space<hbm>> -> memref<1x1x79x128xi32, #tpu.memory_space<hbm>>
      %dma_wait3A_24 = tpu.memref_squeeze %dma_wait3A_23 : memref<1x1x79x128xi32, #tpu.memory_space<hbm>> -> memref<79x128xi32, #tpu.memory_space<hbm>>
      tpu.wait_dma2 semaphore(%run_scoped3A : memref<!tpu.dma_semaphore, #tpu.memory_space<semaphore_mem>>) src(%dma_wait3A_24 : memref<79x128xi32, #tpu.memory_space<hbm>>) dst(%arg6 : memref<79x128xi32, #tpu.memory_space<vmem>>)
      tpu.yield
    }) : () -> ()
    "tpu.region"() ({
      %run_scoped3A = tpu.sem_alloc : memref<!tpu.dma_semaphore, #tpu.memory_space<semaphore_mem>>
      tpu.enqueue_dma source(%arg4 : memref<128x128xf32, #tpu.memory_space<hbm>>) target(%arg7 : memref<128x128xf32, #tpu.memory_space<vmem>>) target_semaphore(%run_scoped3A : memref<!tpu.dma_semaphore, #tpu.memory_space<semaphore_mem>>)
      tpu.wait_dma2 semaphore(%run_scoped3A : memref<!tpu.dma_semaphore, #tpu.memory_space<semaphore_mem>>) src(%arg4 : memref<128x128xf32, #tpu.memory_space<hbm>>) dst(%arg7 : memref<128x128xf32, #tpu.memory_space<vmem>>)
      tpu.yield
    }) : () -> ()
    %mul3A = arith.constant 640 : i32
    %mul3A_0 = arith.muli %arg1, %mul3A : i32
    "tpu.region"() ({
      %run_scoped3A = tpu.sem_alloc : memref<!tpu.dma_semaphore, #tpu.memory_space<semaphore_mem>>
      %dma_start3A = arith.constant 0 : i32
      %dma_start3A_11 = tpu.memref_slice %arg8[%mul3A_0, %dma_start3A] : memref<10240x128xf32, #tpu.memory_space<vmem_shared>> -> memref<640x128xf32, #tpu.memory_space<vmem_shared>>
      tpu.enqueue_dma source(%arg3 : memref<640x128xf32, #tpu.memory_space<hbm>>) target(%dma_start3A_11 : memref<640x128xf32, #tpu.memory_space<vmem_shared>>) target_semaphore(%run_scoped3A : memref<!tpu.dma_semaphore, #tpu.memory_space<semaphore_mem>>)
      %dma_wait3A = arith.constant 0 : i32
      %dma_wait3A_12 = tpu.memref_slice %arg8[%mul3A_0, %dma_wait3A] : memref<10240x128xf32, #tpu.memory_space<vmem_shared>> -> memref<640x128xf32, #tpu.memory_space<vmem_shared>>
      tpu.wait_dma2 semaphore(%run_scoped3A : memref<!tpu.dma_semaphore, #tpu.memory_space<semaphore_mem>>) src(%arg3 : memref<640x128xf32, #tpu.memory_space<hbm>>) dst(%dma_wait3A_12 : memref<640x128xf32, #tpu.memory_space<vmem_shared>>)
      tpu.yield
    }) : () -> ()
    %barrier3A = arith.constant 0 : index
    tpu.barrier barrier_id(%barrier3A)
    %scan3A = arith.constant 0 : i32
    %scan3A_1 = arith.constant 0 : i32
    %scan3A_2 = arith.constant 79 : i32
    %scan3A_3 = arith.addi %scan3A_1, %scan3A_2 : i32
    %scan3A_4 = arith.constant 1 : i32
    scf.for %scan3A_11 = %scan3A_1 to %scan3A_3 step %scan3A_4  : i32 {
      "tpu.region"() ({
        %run_scoped3A = tpu.sem_alloc : memref<!tpu.dma_semaphore, #tpu.memory_space<semaphore_mem>>
        %dma_start3A = arith.constant 0 : i32
        %dma_start3A_12 = tpu.memref_slice %arg6[%scan3A_11, %dma_start3A] : memref<79x128xi32, #tpu.memory_space<vmem>> -> memref<1x128xi32, #tpu.memory_space<vmem>>
        %dma_start3A_13 = tpu.memref_squeeze %dma_start3A_12 : memref<1x128xi32, #tpu.memory_space<vmem>> -> memref<128xi32, #tpu.memory_space<vmem>>
        %dma_start3A_14 = arith.constant 0 : i32
        %dma_start3A_15 = arith.constant 0 : i32
        %dma_start3A_16 = tpu.memref_slice %arg8[%dma_start3A_14, %dma_start3A_15] : memref<10240x128xf32, #tpu.memory_space<vmem_shared>> -> memref<10240x128xf32, #tpu.memory_space<vmem_shared>>
        tpu.enqueue_indirect_dma source(%arg7 : memref<128x128xf32, #tpu.memory_space<vmem>>) target(%dma_start3A_16 : memref<10240x128xf32, #tpu.memory_space<vmem_shared>>) offsets(%dma_start3A_13 : memref<128xi32, #tpu.memory_space<vmem>>) semaphore(%run_scoped3A : memref<!tpu.dma_semaphore, #tpu.memory_space<semaphore_mem>>) {add = true}
        %dma_wait3A = arith.constant 0 : i32
        %dma_wait3A_17 = tpu.memref_slice %arg6[%scan3A_11, %dma_wait3A] : memref<79x128xi32, #tpu.memory_space<vmem>> -> memref<1x128xi32, #tpu.memory_space<vmem>>
        %dma_wait3A_18 = tpu.memref_squeeze %dma_wait3A_17 : memref<1x128xi32, #tpu.memory_space<vmem>> -> memref<128xi32, #tpu.memory_space<vmem>>
        %dma_wait3A_19 = arith.constant 0 : i32
        %dma_wait3A_20 = arith.constant 0 : i32
        %dma_wait3A_21 = tpu.memref_slice %arg8[%dma_wait3A_19, %dma_wait3A_20] : memref<10240x128xf32, #tpu.memory_space<vmem_shared>> -> memref<10240x128xf32, #tpu.memory_space<vmem_shared>>
        tpu.wait_indirect_dma semaphore(%run_scoped3A : memref<!tpu.dma_semaphore, #tpu.memory_space<semaphore_mem>>) src(%arg7 : memref<128x128xf32, #tpu.memory_space<vmem>>) dst(%dma_wait3A_21 : memref<10240x128xf32, #tpu.memory_space<vmem_shared>>)
        tpu.yield
      }) : () -> ()
    }
    %scan3A_5 = arith.constant 79 : i32
    %barrier3A_6 = arith.constant 0 : index
    tpu.barrier barrier_id(%barrier3A_6)
    %mul3A_7 = arith.constant 640 : i32
    %mul3A_8 = arith.muli %arg1, %mul3A_7 : i32
    %mul3A_9 = arith.constant 640 : i32
    %mul3A_10 = arith.muli %arg1, %mul3A_9 : i32
    "tpu.region"() ({
      %run_scoped3A = tpu.sem_alloc : memref<!tpu.dma_semaphore, #tpu.memory_space<semaphore_mem>>
      %dma_start3A = arith.constant 0 : i32
      %dma_start3A_11 = tpu.memref_slice %arg5[%arg0, %mul3A_10, %dma_start3A] : memref<2x10240x128xf32, #tpu.memory_space<hbm>> -> memref<1x640x128xf32, #tpu.memory_space<hbm>>
      %dma_start3A_12 = tpu.memref_squeeze %dma_start3A_11 : memref<1x640x128xf32, #tpu.memory_space<hbm>> -> memref<640x128xf32, #tpu.memory_space<hbm>>
      %dma_start3A_13 = arith.constant 0 : i32
      %dma_start3A_14 = tpu.memref_slice %arg8[%mul3A_8, %dma_start3A_13] : memref<10240x128xf32, #tpu.memory_space<vmem_shared>> -> memref<640x128xf32, #tpu.memory_space<vmem_shared>>
      tpu.enqueue_dma source(%dma_start3A_14 : memref<640x128xf32, #tpu.memory_space<vmem_shared>>) target(%dma_start3A_12 : memref<640x128xf32, #tpu.memory_space<hbm>>) target_semaphore(%run_scoped3A : memref<!tpu.dma_semaphore, #tpu.memory_space<semaphore_mem>>)
      %dma_wait3A = arith.constant 0 : i32
      %dma_wait3A_15 = tpu.memref_slice %arg5[%arg0, %mul3A_10, %dma_wait3A] : memref<2x10240x128xf32, #tpu.memory_space<hbm>> -> memref<1x640x128xf32, #tpu.memory_space<hbm>>
      %dma_wait3A_16 = tpu.memref_squeeze %dma_wait3A_15 : memref<1x640x128xf32, #tpu.memory_space<hbm>> -> memref<640x128xf32, #tpu.memory_space<hbm>>
      %dma_wait3A_17 = arith.constant 0 : i32
      %dma_wait3A_18 = tpu.memref_slice %arg8[%mul3A_8, %dma_wait3A_17] : memref<10240x128xf32, #tpu.memory_space<vmem_shared>> -> memref<640x128xf32, #tpu.memory_space<vmem_shared>>
      tpu.wait_dma2 semaphore(%run_scoped3A : memref<!tpu.dma_semaphore, #tpu.memory_space<semaphore_mem>>) src(%dma_wait3A_18 : memref<640x128xf32, #tpu.memory_space<vmem_shared>>) dst(%dma_wait3A_16 : memref<640x128xf32, #tpu.memory_space<hbm>>)
      tpu.yield
    }) : () -> ()
    return
  }
}

#map = affine_map<(d0, d1) -> (0, 0)>
#map1 = affine_map<(d0, d1) -> (0, 0, 0)>
module attributes {stable_mosaic.version = 14 : i64} {
  func.func @body(%arg0: i32, %arg1: i32, %arg2: memref<10240x128xf32, #tpu.memory_space<hbm>>, %arg3: memref<16x95x128xi32, #tpu.memory_space<hbm>>, %arg4: memref<16x95x128xi32, #tpu.memory_space<hbm>>, %arg5: memref<16x63x128xi32, #tpu.memory_space<hbm>>, %arg6: memref<16x63x128xi32, #tpu.memory_space<hbm>>, %arg7: memref<640x128xf32, #tpu.memory_space<hbm>>, %arg8: memref<2x10240x128xf32, #tpu.memory_space<hbm>>, %arg9: memref<95x128xi32, #tpu.memory_space<vmem>>, %arg10: memref<95x128xi32, #tpu.memory_space<vmem>>, %arg11: memref<128x128xf32, #tpu.memory_space<vmem>>, %arg12: memref<10240x128xf32, #tpu.memory_space<vmem_shared>>, %arg13: memref<!tpu.dma_semaphore, #tpu.memory_space<semaphore_mem>>) attributes {dimension_semantics = [#tpu.dimension_semantics<core_parallel>, #tpu.dimension_semantics<subcore_parallel>], iteration_bounds = array<i64: 2, 16>, scalar_prefetch = 0 : i64, scratch_operands = 5 : i64, tpu.core_type = #tpu.core_type<sc_vector_subcore>, window_params = [{transform_indices = #map}, {transform_indices = #map1}, {transform_indices = #map1}, {transform_indices = #map1}, {transform_indices = #map1}, {transform_indices = #map}, {transform_indices = #map1}]} {
    %mul3A = arith.constant 640 : i32
    %mul3A_0 = arith.muli %arg1, %mul3A : i32
    "tpu.region"() ({
      %run_scoped3A = tpu.sem_alloc : memref<!tpu.dma_semaphore, #tpu.memory_space<semaphore_mem>>
      %dma_start3A = arith.constant 0 : i32
      %dma_start3A_12 = tpu.memref_slice %arg12[%mul3A_0, %dma_start3A] : memref<10240x128xf32, #tpu.memory_space<vmem_shared>> -> memref<640x128xf32, #tpu.memory_space<vmem_shared>>
      tpu.enqueue_dma source(%arg7 : memref<640x128xf32, #tpu.memory_space<hbm>>) target(%dma_start3A_12 : memref<640x128xf32, #tpu.memory_space<vmem_shared>>) target_semaphore(%run_scoped3A : memref<!tpu.dma_semaphore, #tpu.memory_space<semaphore_mem>>)
      %dma_wait3A = arith.constant 0 : i32
      %dma_wait3A_13 = tpu.memref_slice %arg12[%mul3A_0, %dma_wait3A] : memref<10240x128xf32, #tpu.memory_space<vmem_shared>> -> memref<640x128xf32, #tpu.memory_space<vmem_shared>>
      tpu.wait_dma2 semaphore(%run_scoped3A : memref<!tpu.dma_semaphore, #tpu.memory_space<semaphore_mem>>) src(%arg7 : memref<640x128xf32, #tpu.memory_space<hbm>>) dst(%dma_wait3A_13 : memref<640x128xf32, #tpu.memory_space<vmem_shared>>)
      tpu.yield
    }) : () -> ()
    %eq3A = arith.constant 0 : i32
    %eq3A_1 = arith.cmpi eq, %arg0, %eq3A : i32
    %convert_element_type3A = arith.extui %eq3A_1 : i1 to i32
    %cond3A = arith.constant 0 : i32
    %cond3A_2 = arith.cmpi ne, %convert_element_type3A, %cond3A : i32
    scf.if %cond3A_2 {
      "tpu.region"() ({
        %run_scoped3A = tpu.sem_alloc : memref<!tpu.dma_semaphore, #tpu.memory_space<semaphore_mem>>
        %dma_start3A = arith.constant 0 : i32
        %dma_start3A_18 = arith.constant 0 : i32
        %dma_start3A_19 = tpu.memref_slice %arg9[%dma_start3A, %dma_start3A_18] : memref<95x128xi32, #tpu.memory_space<vmem>> -> memref<95x128xi32, #tpu.memory_space<vmem>>
        %dma_start3A_20 = arith.constant 0 : i32
        %dma_start3A_21 = arith.constant 0 : i32
        %dma_start3A_22 = tpu.memref_slice %arg3[%arg1, %dma_start3A_20, %dma_start3A_21] : memref<16x95x128xi32, #tpu.memory_space<hbm>> -> memref<1x95x128xi32, #tpu.memory_space<hbm>>
        %dma_start3A_23 = tpu.memref_squeeze %dma_start3A_22 : memref<1x95x128xi32, #tpu.memory_space<hbm>> -> memref<95x128xi32, #tpu.memory_space<hbm>>
        %dma_start3A_24 = arith.constant 0 : i32
        %dma_start3A_25 = arith.constant 0 : i32
        %dma_start3A_26 = tpu.memref_slice %arg9[%dma_start3A_24, %dma_start3A_25] : memref<95x128xi32, #tpu.memory_space<vmem>> -> memref<95x128xi32, #tpu.memory_space<vmem>>
        %dma_start3A_27 = arith.constant 0 : i32
        %dma_start3A_28 = arith.constant 0 : i32
        %dma_start3A_29 = tpu.memref_slice %arg3[%arg1, %dma_start3A_27, %dma_start3A_28] : memref<16x95x128xi32, #tpu.memory_space<hbm>> -> memref<1x95x128xi32, #tpu.memory_space<hbm>>
        %dma_start3A_30 = tpu.memref_squeeze %dma_start3A_29 : memref<1x95x128xi32, #tpu.memory_space<hbm>> -> memref<95x128xi32, #tpu.memory_space<hbm>>
        tpu.enqueue_dma source(%dma_start3A_30 : memref<95x128xi32, #tpu.memory_space<hbm>>) target(%dma_start3A_26 : memref<95x128xi32, #tpu.memory_space<vmem>>) target_semaphore(%run_scoped3A : memref<!tpu.dma_semaphore, #tpu.memory_space<semaphore_mem>>)
        %dma_wait3A = arith.constant 0 : i32
        %dma_wait3A_31 = arith.constant 0 : i32
        %dma_wait3A_32 = tpu.memref_slice %arg9[%dma_wait3A, %dma_wait3A_31] : memref<95x128xi32, #tpu.memory_space<vmem>> -> memref<95x128xi32, #tpu.memory_space<vmem>>
        %dma_wait3A_33 = arith.constant 0 : i32
        %dma_wait3A_34 = arith.constant 0 : i32
        %dma_wait3A_35 = tpu.memref_slice %arg3[%arg1, %dma_wait3A_33, %dma_wait3A_34] : memref<16x95x128xi32, #tpu.memory_space<hbm>> -> memref<1x95x128xi32, #tpu.memory_space<hbm>>
        %dma_wait3A_36 = tpu.memref_squeeze %dma_wait3A_35 : memref<1x95x128xi32, #tpu.memory_space<hbm>> -> memref<95x128xi32, #tpu.memory_space<hbm>>
        %dma_wait3A_37 = arith.constant 0 : i32
        %dma_wait3A_38 = arith.constant 0 : i32
        %dma_wait3A_39 = tpu.memref_slice %arg9[%dma_wait3A_37, %dma_wait3A_38] : memref<95x128xi32, #tpu.memory_space<vmem>> -> memref<95x128xi32, #tpu.memory_space<vmem>>
        %dma_wait3A_40 = arith.constant 0 : i32
        %dma_wait3A_41 = arith.constant 0 : i32
        %dma_wait3A_42 = tpu.memref_slice %arg3[%arg1, %dma_wait3A_40, %dma_wait3A_41] : memref<16x95x128xi32, #tpu.memory_space<hbm>> -> memref<1x95x128xi32, #tpu.memory_space<hbm>>
        %dma_wait3A_43 = tpu.memref_squeeze %dma_wait3A_42 : memref<1x95x128xi32, #tpu.memory_space<hbm>> -> memref<95x128xi32, #tpu.memory_space<hbm>>
        tpu.wait_dma2 semaphore(%run_scoped3A : memref<!tpu.dma_semaphore, #tpu.memory_space<semaphore_mem>>) src(%dma_wait3A_43 : memref<95x128xi32, #tpu.memory_space<hbm>>) dst(%dma_wait3A_39 : memref<95x128xi32, #tpu.memory_space<vmem>>)
        tpu.yield
      }) : () -> ()
      "tpu.region"() ({
        %run_scoped3A = tpu.sem_alloc : memref<!tpu.dma_semaphore, #tpu.memory_space<semaphore_mem>>
        %dma_start3A = arith.constant 0 : i32
        %dma_start3A_18 = arith.constant 0 : i32
        %dma_start3A_19 = tpu.memref_slice %arg10[%dma_start3A, %dma_start3A_18] : memref<95x128xi32, #tpu.memory_space<vmem>> -> memref<95x128xi32, #tpu.memory_space<vmem>>
        %dma_start3A_20 = arith.constant 0 : i32
        %dma_start3A_21 = arith.constant 0 : i32
        %dma_start3A_22 = tpu.memref_slice %arg4[%arg1, %dma_start3A_20, %dma_start3A_21] : memref<16x95x128xi32, #tpu.memory_space<hbm>> -> memref<1x95x128xi32, #tpu.memory_space<hbm>>
        %dma_start3A_23 = tpu.memref_squeeze %dma_start3A_22 : memref<1x95x128xi32, #tpu.memory_space<hbm>> -> memref<95x128xi32, #tpu.memory_space<hbm>>
        %dma_start3A_24 = arith.constant 0 : i32
        %dma_start3A_25 = arith.constant 0 : i32
        %dma_start3A_26 = tpu.memref_slice %arg10[%dma_start3A_24, %dma_start3A_25] : memref<95x128xi32, #tpu.memory_space<vmem>> -> memref<95x128xi32, #tpu.memory_space<vmem>>
        %dma_start3A_27 = arith.constant 0 : i32
        %dma_start3A_28 = arith.constant 0 : i32
        %dma_start3A_29 = tpu.memref_slice %arg4[%arg1, %dma_start3A_27, %dma_start3A_28] : memref<16x95x128xi32, #tpu.memory_space<hbm>> -> memref<1x95x128xi32, #tpu.memory_space<hbm>>
        %dma_start3A_30 = tpu.memref_squeeze %dma_start3A_29 : memref<1x95x128xi32, #tpu.memory_space<hbm>> -> memref<95x128xi32, #tpu.memory_space<hbm>>
        tpu.enqueue_dma source(%dma_start3A_30 : memref<95x128xi32, #tpu.memory_space<hbm>>) target(%dma_start3A_26 : memref<95x128xi32, #tpu.memory_space<vmem>>) target_semaphore(%run_scoped3A : memref<!tpu.dma_semaphore, #tpu.memory_space<semaphore_mem>>)
        %dma_wait3A = arith.constant 0 : i32
        %dma_wait3A_31 = arith.constant 0 : i32
        %dma_wait3A_32 = tpu.memref_slice %arg10[%dma_wait3A, %dma_wait3A_31] : memref<95x128xi32, #tpu.memory_space<vmem>> -> memref<95x128xi32, #tpu.memory_space<vmem>>
        %dma_wait3A_33 = arith.constant 0 : i32
        %dma_wait3A_34 = arith.constant 0 : i32
        %dma_wait3A_35 = tpu.memref_slice %arg4[%arg1, %dma_wait3A_33, %dma_wait3A_34] : memref<16x95x128xi32, #tpu.memory_space<hbm>> -> memref<1x95x128xi32, #tpu.memory_space<hbm>>
        %dma_wait3A_36 = tpu.memref_squeeze %dma_wait3A_35 : memref<1x95x128xi32, #tpu.memory_space<hbm>> -> memref<95x128xi32, #tpu.memory_space<hbm>>
        %dma_wait3A_37 = arith.constant 0 : i32
        %dma_wait3A_38 = arith.constant 0 : i32
        %dma_wait3A_39 = tpu.memref_slice %arg10[%dma_wait3A_37, %dma_wait3A_38] : memref<95x128xi32, #tpu.memory_space<vmem>> -> memref<95x128xi32, #tpu.memory_space<vmem>>
        %dma_wait3A_40 = arith.constant 0 : i32
        %dma_wait3A_41 = arith.constant 0 : i32
        %dma_wait3A_42 = tpu.memref_slice %arg4[%arg1, %dma_wait3A_40, %dma_wait3A_41] : memref<16x95x128xi32, #tpu.memory_space<hbm>> -> memref<1x95x128xi32, #tpu.memory_space<hbm>>
        %dma_wait3A_43 = tpu.memref_squeeze %dma_wait3A_42 : memref<1x95x128xi32, #tpu.memory_space<hbm>> -> memref<95x128xi32, #tpu.memory_space<hbm>>
        tpu.wait_dma2 semaphore(%run_scoped3A : memref<!tpu.dma_semaphore, #tpu.memory_space<semaphore_mem>>) src(%dma_wait3A_43 : memref<95x128xi32, #tpu.memory_space<hbm>>) dst(%dma_wait3A_39 : memref<95x128xi32, #tpu.memory_space<vmem>>)
        tpu.yield
      }) : () -> ()
      %barrier3A_12 = arith.constant 0 : index
      tpu.barrier barrier_id(%barrier3A_12)
      %scan3A = arith.constant 0 : i32
      %scan3A_13 = arith.constant 0 : i32
      %scan3A_14 = arith.constant 95 : i32
      %scan3A_15 = arith.addi %scan3A_13, %scan3A_14 : i32
      %scan3A_16 = arith.constant 1 : i32
      scf.for %scan3A_18 = %scan3A_13 to %scan3A_15 step %scan3A_16  : i32 {
        %dma_start3A = arith.constant 0 : i32
        %dma_start3A_19 = tpu.memref_slice %arg9[%scan3A_18, %dma_start3A] : memref<95x128xi32, #tpu.memory_space<vmem>> -> memref<1x128xi32, #tpu.memory_space<vmem>>
        %dma_start3A_20 = tpu.memref_squeeze %dma_start3A_19 : memref<1x128xi32, #tpu.memory_space<vmem>> -> memref<128xi32, #tpu.memory_space<vmem>>
        %dma_start3A_21 = arith.constant 0 : i32
        %dma_start3A_22 = arith.constant 0 : i32
        %dma_start3A_23 = tpu.memref_slice %arg2[%dma_start3A_21, %dma_start3A_22] : memref<10240x128xf32, #tpu.memory_space<hbm>> -> memref<10240x128xf32, #tpu.memory_space<hbm>>
        tpu.enqueue_indirect_dma source(%dma_start3A_23 : memref<10240x128xf32, #tpu.memory_space<hbm>>) target(%arg11 : memref<128x128xf32, #tpu.memory_space<vmem>>) offsets(%dma_start3A_20 : memref<128xi32, #tpu.memory_space<vmem>>) semaphore(%arg13 : memref<!tpu.dma_semaphore, #tpu.memory_space<semaphore_mem>>)
        %dma_wait3A = arith.constant 0 : i32
        %dma_wait3A_24 = tpu.memref_slice %arg9[%scan3A_18, %dma_wait3A] : memref<95x128xi32, #tpu.memory_space<vmem>> -> memref<1x128xi32, #tpu.memory_space<vmem>>
        %dma_wait3A_25 = tpu.memref_squeeze %dma_wait3A_24 : memref<1x128xi32, #tpu.memory_space<vmem>> -> memref<128xi32, #tpu.memory_space<vmem>>
        %dma_wait3A_26 = arith.constant 0 : i32
        %dma_wait3A_27 = arith.constant 0 : i32
        %dma_wait3A_28 = tpu.memref_slice %arg2[%dma_wait3A_26, %dma_wait3A_27] : memref<10240x128xf32, #tpu.memory_space<hbm>> -> memref<10240x128xf32, #tpu.memory_space<hbm>>
        tpu.wait_indirect_dma semaphore(%arg13 : memref<!tpu.dma_semaphore, #tpu.memory_space<semaphore_mem>>) src(%dma_wait3A_28 : memref<10240x128xf32, #tpu.memory_space<hbm>>) dst(%arg11 : memref<128x128xf32, #tpu.memory_space<vmem>>)
        "tpu.region"() ({
          %run_scoped3A = tpu.sem_alloc : memref<!tpu.dma_semaphore, #tpu.memory_space<semaphore_mem>>
          %dma_start3A_29 = arith.constant 0 : i32
          %dma_start3A_30 = tpu.memref_slice %arg10[%scan3A_18, %dma_start3A_29] : memref<95x128xi32, #tpu.memory_space<vmem>> -> memref<1x128xi32, #tpu.memory_space<vmem>>
          %dma_start3A_31 = tpu.memref_squeeze %dma_start3A_30 : memref<1x128xi32, #tpu.memory_space<vmem>> -> memref<128xi32, #tpu.memory_space<vmem>>
          %dma_start3A_32 = arith.constant 0 : i32
          %dma_start3A_33 = arith.constant 0 : i32
          %dma_start3A_34 = tpu.memref_slice %arg12[%dma_start3A_32, %dma_start3A_33] : memref<10240x128xf32, #tpu.memory_space<vmem_shared>> -> memref<10240x128xf32, #tpu.memory_space<vmem_shared>>
          tpu.enqueue_indirect_dma source(%arg11 : memref<128x128xf32, #tpu.memory_space<vmem>>) target(%dma_start3A_34 : memref<10240x128xf32, #tpu.memory_space<vmem_shared>>) offsets(%dma_start3A_31 : memref<128xi32, #tpu.memory_space<vmem>>) semaphore(%run_scoped3A : memref<!tpu.dma_semaphore, #tpu.memory_space<semaphore_mem>>) {add = true}
          %dma_wait3A_35 = arith.constant 0 : i32
          %dma_wait3A_36 = tpu.memref_slice %arg10[%scan3A_18, %dma_wait3A_35] : memref<95x128xi32, #tpu.memory_space<vmem>> -> memref<1x128xi32, #tpu.memory_space<vmem>>
          %dma_wait3A_37 = tpu.memref_squeeze %dma_wait3A_36 : memref<1x128xi32, #tpu.memory_space<vmem>> -> memref<128xi32, #tpu.memory_space<vmem>>
          %dma_wait3A_38 = arith.constant 0 : i32
          %dma_wait3A_39 = arith.constant 0 : i32
          %dma_wait3A_40 = tpu.memref_slice %arg12[%dma_wait3A_38, %dma_wait3A_39] : memref<10240x128xf32, #tpu.memory_space<vmem_shared>> -> memref<10240x128xf32, #tpu.memory_space<vmem_shared>>
          tpu.wait_indirect_dma semaphore(%run_scoped3A : memref<!tpu.dma_semaphore, #tpu.memory_space<semaphore_mem>>) src(%arg11 : memref<128x128xf32, #tpu.memory_space<vmem>>) dst(%dma_wait3A_40 : memref<10240x128xf32, #tpu.memory_space<vmem_shared>>)
          tpu.yield
        }) : () -> ()
      }
      %scan3A_17 = arith.constant 95 : i32
    } else {
    }
    %eq3A_3 = arith.constant 1 : i32
    %eq3A_4 = arith.cmpi eq, %arg0, %eq3A_3 : i32
    %convert_element_type3A_5 = arith.extui %eq3A_4 : i1 to i32
    %cond3A_6 = arith.constant 0 : i32
    %cond3A_7 = arith.cmpi ne, %convert_element_type3A_5, %cond3A_6 : i32
    scf.if %cond3A_7 {
      "tpu.region"() ({
        %run_scoped3A = tpu.sem_alloc : memref<!tpu.dma_semaphore, #tpu.memory_space<semaphore_mem>>
        %dma_start3A = arith.constant 0 : i32
        %dma_start3A_18 = arith.constant 0 : i32
        %dma_start3A_19 = tpu.memref_slice %arg9[%dma_start3A, %dma_start3A_18] : memref<95x128xi32, #tpu.memory_space<vmem>> -> memref<63x128xi32, #tpu.memory_space<vmem>>
        %dma_start3A_20 = arith.constant 0 : i32
        %dma_start3A_21 = arith.constant 0 : i32
        %dma_start3A_22 = tpu.memref_slice %arg5[%arg1, %dma_start3A_20, %dma_start3A_21] : memref<16x63x128xi32, #tpu.memory_space<hbm>> -> memref<1x63x128xi32, #tpu.memory_space<hbm>>
        %dma_start3A_23 = tpu.memref_squeeze %dma_start3A_22 : memref<1x63x128xi32, #tpu.memory_space<hbm>> -> memref<63x128xi32, #tpu.memory_space<hbm>>
        %dma_start3A_24 = arith.constant 0 : i32
        %dma_start3A_25 = arith.constant 0 : i32
        %dma_start3A_26 = tpu.memref_slice %arg9[%dma_start3A_24, %dma_start3A_25] : memref<95x128xi32, #tpu.memory_space<vmem>> -> memref<63x128xi32, #tpu.memory_space<vmem>>
        %dma_start3A_27 = arith.constant 0 : i32
        %dma_start3A_28 = arith.constant 0 : i32
        %dma_start3A_29 = tpu.memref_slice %arg5[%arg1, %dma_start3A_27, %dma_start3A_28] : memref<16x63x128xi32, #tpu.memory_space<hbm>> -> memref<1x63x128xi32, #tpu.memory_space<hbm>>
        %dma_start3A_30 = tpu.memref_squeeze %dma_start3A_29 : memref<1x63x128xi32, #tpu.memory_space<hbm>> -> memref<63x128xi32, #tpu.memory_space<hbm>>
        tpu.enqueue_dma source(%dma_start3A_30 : memref<63x128xi32, #tpu.memory_space<hbm>>) target(%dma_start3A_26 : memref<63x128xi32, #tpu.memory_space<vmem>>) target_semaphore(%run_scoped3A : memref<!tpu.dma_semaphore, #tpu.memory_space<semaphore_mem>>)
        %dma_wait3A = arith.constant 0 : i32
        %dma_wait3A_31 = arith.constant 0 : i32
        %dma_wait3A_32 = tpu.memref_slice %arg9[%dma_wait3A, %dma_wait3A_31] : memref<95x128xi32, #tpu.memory_space<vmem>> -> memref<63x128xi32, #tpu.memory_space<vmem>>
        %dma_wait3A_33 = arith.constant 0 : i32
        %dma_wait3A_34 = arith.constant 0 : i32
        %dma_wait3A_35 = tpu.memref_slice %arg5[%arg1, %dma_wait3A_33, %dma_wait3A_34] : memref<16x63x128xi32, #tpu.memory_space<hbm>> -> memref<1x63x128xi32, #tpu.memory_space<hbm>>
        %dma_wait3A_36 = tpu.memref_squeeze %dma_wait3A_35 : memref<1x63x128xi32, #tpu.memory_space<hbm>> -> memref<63x128xi32, #tpu.memory_space<hbm>>
        %dma_wait3A_37 = arith.constant 0 : i32
        %dma_wait3A_38 = arith.constant 0 : i32
        %dma_wait3A_39 = tpu.memref_slice %arg9[%dma_wait3A_37, %dma_wait3A_38] : memref<95x128xi32, #tpu.memory_space<vmem>> -> memref<63x128xi32, #tpu.memory_space<vmem>>
        %dma_wait3A_40 = arith.constant 0 : i32
        %dma_wait3A_41 = arith.constant 0 : i32
        %dma_wait3A_42 = tpu.memref_slice %arg5[%arg1, %dma_wait3A_40, %dma_wait3A_41] : memref<16x63x128xi32, #tpu.memory_space<hbm>> -> memref<1x63x128xi32, #tpu.memory_space<hbm>>
        %dma_wait3A_43 = tpu.memref_squeeze %dma_wait3A_42 : memref<1x63x128xi32, #tpu.memory_space<hbm>> -> memref<63x128xi32, #tpu.memory_space<hbm>>
        tpu.wait_dma2 semaphore(%run_scoped3A : memref<!tpu.dma_semaphore, #tpu.memory_space<semaphore_mem>>) src(%dma_wait3A_43 : memref<63x128xi32, #tpu.memory_space<hbm>>) dst(%dma_wait3A_39 : memref<63x128xi32, #tpu.memory_space<vmem>>)
        tpu.yield
      }) : () -> ()
      "tpu.region"() ({
        %run_scoped3A = tpu.sem_alloc : memref<!tpu.dma_semaphore, #tpu.memory_space<semaphore_mem>>
        %dma_start3A = arith.constant 0 : i32
        %dma_start3A_18 = arith.constant 0 : i32
        %dma_start3A_19 = tpu.memref_slice %arg10[%dma_start3A, %dma_start3A_18] : memref<95x128xi32, #tpu.memory_space<vmem>> -> memref<63x128xi32, #tpu.memory_space<vmem>>
        %dma_start3A_20 = arith.constant 0 : i32
        %dma_start3A_21 = arith.constant 0 : i32
        %dma_start3A_22 = tpu.memref_slice %arg6[%arg1, %dma_start3A_20, %dma_start3A_21] : memref<16x63x128xi32, #tpu.memory_space<hbm>> -> memref<1x63x128xi32, #tpu.memory_space<hbm>>
        %dma_start3A_23 = tpu.memref_squeeze %dma_start3A_22 : memref<1x63x128xi32, #tpu.memory_space<hbm>> -> memref<63x128xi32, #tpu.memory_space<hbm>>
        %dma_start3A_24 = arith.constant 0 : i32
        %dma_start3A_25 = arith.constant 0 : i32
        %dma_start3A_26 = tpu.memref_slice %arg10[%dma_start3A_24, %dma_start3A_25] : memref<95x128xi32, #tpu.memory_space<vmem>> -> memref<63x128xi32, #tpu.memory_space<vmem>>
        %dma_start3A_27 = arith.constant 0 : i32
        %dma_start3A_28 = arith.constant 0 : i32
        %dma_start3A_29 = tpu.memref_slice %arg6[%arg1, %dma_start3A_27, %dma_start3A_28] : memref<16x63x128xi32, #tpu.memory_space<hbm>> -> memref<1x63x128xi32, #tpu.memory_space<hbm>>
        %dma_start3A_30 = tpu.memref_squeeze %dma_start3A_29 : memref<1x63x128xi32, #tpu.memory_space<hbm>> -> memref<63x128xi32, #tpu.memory_space<hbm>>
        tpu.enqueue_dma source(%dma_start3A_30 : memref<63x128xi32, #tpu.memory_space<hbm>>) target(%dma_start3A_26 : memref<63x128xi32, #tpu.memory_space<vmem>>) target_semaphore(%run_scoped3A : memref<!tpu.dma_semaphore, #tpu.memory_space<semaphore_mem>>)
        %dma_wait3A = arith.constant 0 : i32
        %dma_wait3A_31 = arith.constant 0 : i32
        %dma_wait3A_32 = tpu.memref_slice %arg10[%dma_wait3A, %dma_wait3A_31] : memref<95x128xi32, #tpu.memory_space<vmem>> -> memref<63x128xi32, #tpu.memory_space<vmem>>
        %dma_wait3A_33 = arith.constant 0 : i32
        %dma_wait3A_34 = arith.constant 0 : i32
        %dma_wait3A_35 = tpu.memref_slice %arg6[%arg1, %dma_wait3A_33, %dma_wait3A_34] : memref<16x63x128xi32, #tpu.memory_space<hbm>> -> memref<1x63x128xi32, #tpu.memory_space<hbm>>
        %dma_wait3A_36 = tpu.memref_squeeze %dma_wait3A_35 : memref<1x63x128xi32, #tpu.memory_space<hbm>> -> memref<63x128xi32, #tpu.memory_space<hbm>>
        %dma_wait3A_37 = arith.constant 0 : i32
        %dma_wait3A_38 = arith.constant 0 : i32
        %dma_wait3A_39 = tpu.memref_slice %arg10[%dma_wait3A_37, %dma_wait3A_38] : memref<95x128xi32, #tpu.memory_space<vmem>> -> memref<63x128xi32, #tpu.memory_space<vmem>>
        %dma_wait3A_40 = arith.constant 0 : i32
        %dma_wait3A_41 = arith.constant 0 : i32
        %dma_wait3A_42 = tpu.memref_slice %arg6[%arg1, %dma_wait3A_40, %dma_wait3A_41] : memref<16x63x128xi32, #tpu.memory_space<hbm>> -> memref<1x63x128xi32, #tpu.memory_space<hbm>>
        %dma_wait3A_43 = tpu.memref_squeeze %dma_wait3A_42 : memref<1x63x128xi32, #tpu.memory_space<hbm>> -> memref<63x128xi32, #tpu.memory_space<hbm>>
        tpu.wait_dma2 semaphore(%run_scoped3A : memref<!tpu.dma_semaphore, #tpu.memory_space<semaphore_mem>>) src(%dma_wait3A_43 : memref<63x128xi32, #tpu.memory_space<hbm>>) dst(%dma_wait3A_39 : memref<63x128xi32, #tpu.memory_space<vmem>>)
        tpu.yield
      }) : () -> ()
      %barrier3A_12 = arith.constant 0 : index
      tpu.barrier barrier_id(%barrier3A_12)
      %scan3A = arith.constant 0 : i32
      %scan3A_13 = arith.constant 0 : i32
      %scan3A_14 = arith.constant 63 : i32
      %scan3A_15 = arith.addi %scan3A_13, %scan3A_14 : i32
      %scan3A_16 = arith.constant 1 : i32
      scf.for %scan3A_18 = %scan3A_13 to %scan3A_15 step %scan3A_16  : i32 {
        %dma_start3A = arith.constant 0 : i32
        %dma_start3A_19 = tpu.memref_slice %arg9[%scan3A_18, %dma_start3A] : memref<95x128xi32, #tpu.memory_space<vmem>> -> memref<1x128xi32, #tpu.memory_space<vmem>>
        %dma_start3A_20 = tpu.memref_squeeze %dma_start3A_19 : memref<1x128xi32, #tpu.memory_space<vmem>> -> memref<128xi32, #tpu.memory_space<vmem>>
        %dma_start3A_21 = arith.constant 0 : i32
        %dma_start3A_22 = arith.constant 0 : i32
        %dma_start3A_23 = tpu.memref_slice %arg2[%dma_start3A_21, %dma_start3A_22] : memref<10240x128xf32, #tpu.memory_space<hbm>> -> memref<10240x128xf32, #tpu.memory_space<hbm>>
        tpu.enqueue_indirect_dma source(%dma_start3A_23 : memref<10240x128xf32, #tpu.memory_space<hbm>>) target(%arg11 : memref<128x128xf32, #tpu.memory_space<vmem>>) offsets(%dma_start3A_20 : memref<128xi32, #tpu.memory_space<vmem>>) semaphore(%arg13 : memref<!tpu.dma_semaphore, #tpu.memory_space<semaphore_mem>>)
        %dma_wait3A = arith.constant 0 : i32
        %dma_wait3A_24 = tpu.memref_slice %arg9[%scan3A_18, %dma_wait3A] : memref<95x128xi32, #tpu.memory_space<vmem>> -> memref<1x128xi32, #tpu.memory_space<vmem>>
        %dma_wait3A_25 = tpu.memref_squeeze %dma_wait3A_24 : memref<1x128xi32, #tpu.memory_space<vmem>> -> memref<128xi32, #tpu.memory_space<vmem>>
        %dma_wait3A_26 = arith.constant 0 : i32
        %dma_wait3A_27 = arith.constant 0 : i32
        %dma_wait3A_28 = tpu.memref_slice %arg2[%dma_wait3A_26, %dma_wait3A_27] : memref<10240x128xf32, #tpu.memory_space<hbm>> -> memref<10240x128xf32, #tpu.memory_space<hbm>>
        tpu.wait_indirect_dma semaphore(%arg13 : memref<!tpu.dma_semaphore, #tpu.memory_space<semaphore_mem>>) src(%dma_wait3A_28 : memref<10240x128xf32, #tpu.memory_space<hbm>>) dst(%arg11 : memref<128x128xf32, #tpu.memory_space<vmem>>)
        "tpu.region"() ({
          %run_scoped3A = tpu.sem_alloc : memref<!tpu.dma_semaphore, #tpu.memory_space<semaphore_mem>>
          %dma_start3A_29 = arith.constant 0 : i32
          %dma_start3A_30 = tpu.memref_slice %arg10[%scan3A_18, %dma_start3A_29] : memref<95x128xi32, #tpu.memory_space<vmem>> -> memref<1x128xi32, #tpu.memory_space<vmem>>
          %dma_start3A_31 = tpu.memref_squeeze %dma_start3A_30 : memref<1x128xi32, #tpu.memory_space<vmem>> -> memref<128xi32, #tpu.memory_space<vmem>>
          %dma_start3A_32 = arith.constant 0 : i32
          %dma_start3A_33 = arith.constant 0 : i32
          %dma_start3A_34 = tpu.memref_slice %arg12[%dma_start3A_32, %dma_start3A_33] : memref<10240x128xf32, #tpu.memory_space<vmem_shared>> -> memref<10240x128xf32, #tpu.memory_space<vmem_shared>>
          tpu.enqueue_indirect_dma source(%arg11 : memref<128x128xf32, #tpu.memory_space<vmem>>) target(%dma_start3A_34 : memref<10240x128xf32, #tpu.memory_space<vmem_shared>>) offsets(%dma_start3A_31 : memref<128xi32, #tpu.memory_space<vmem>>) semaphore(%run_scoped3A : memref<!tpu.dma_semaphore, #tpu.memory_space<semaphore_mem>>) {add = true}
          %dma_wait3A_35 = arith.constant 0 : i32
          %dma_wait3A_36 = tpu.memref_slice %arg10[%scan3A_18, %dma_wait3A_35] : memref<95x128xi32, #tpu.memory_space<vmem>> -> memref<1x128xi32, #tpu.memory_space<vmem>>
          %dma_wait3A_37 = tpu.memref_squeeze %dma_wait3A_36 : memref<1x128xi32, #tpu.memory_space<vmem>> -> memref<128xi32, #tpu.memory_space<vmem>>
          %dma_wait3A_38 = arith.constant 0 : i32
          %dma_wait3A_39 = arith.constant 0 : i32
          %dma_wait3A_40 = tpu.memref_slice %arg12[%dma_wait3A_38, %dma_wait3A_39] : memref<10240x128xf32, #tpu.memory_space<vmem_shared>> -> memref<10240x128xf32, #tpu.memory_space<vmem_shared>>
          tpu.wait_indirect_dma semaphore(%run_scoped3A : memref<!tpu.dma_semaphore, #tpu.memory_space<semaphore_mem>>) src(%arg11 : memref<128x128xf32, #tpu.memory_space<vmem>>) dst(%dma_wait3A_40 : memref<10240x128xf32, #tpu.memory_space<vmem_shared>>)
          tpu.yield
        }) : () -> ()
      }
      %scan3A_17 = arith.constant 63 : i32
    } else {
    }
    %barrier3A = arith.constant 0 : index
    tpu.barrier barrier_id(%barrier3A)
    %mul3A_8 = arith.constant 640 : i32
    %mul3A_9 = arith.muli %arg1, %mul3A_8 : i32
    %mul3A_10 = arith.constant 640 : i32
    %mul3A_11 = arith.muli %arg1, %mul3A_10 : i32
    "tpu.region"() ({
      %run_scoped3A = tpu.sem_alloc : memref<!tpu.dma_semaphore, #tpu.memory_space<semaphore_mem>>
      %dma_start3A = arith.constant 0 : i32
      %dma_start3A_12 = tpu.memref_slice %arg8[%arg0, %mul3A_11, %dma_start3A] : memref<2x10240x128xf32, #tpu.memory_space<hbm>> -> memref<1x640x128xf32, #tpu.memory_space<hbm>>
      %dma_start3A_13 = tpu.memref_squeeze %dma_start3A_12 : memref<1x640x128xf32, #tpu.memory_space<hbm>> -> memref<640x128xf32, #tpu.memory_space<hbm>>
      %dma_start3A_14 = arith.constant 0 : i32
      %dma_start3A_15 = tpu.memref_slice %arg12[%mul3A_9, %dma_start3A_14] : memref<10240x128xf32, #tpu.memory_space<vmem_shared>> -> memref<640x128xf32, #tpu.memory_space<vmem_shared>>
      tpu.enqueue_dma source(%dma_start3A_15 : memref<640x128xf32, #tpu.memory_space<vmem_shared>>) target(%dma_start3A_13 : memref<640x128xf32, #tpu.memory_space<hbm>>) target_semaphore(%run_scoped3A : memref<!tpu.dma_semaphore, #tpu.memory_space<semaphore_mem>>)
      %dma_wait3A = arith.constant 0 : i32
      %dma_wait3A_16 = tpu.memref_slice %arg8[%arg0, %mul3A_11, %dma_wait3A] : memref<2x10240x128xf32, #tpu.memory_space<hbm>> -> memref<1x640x128xf32, #tpu.memory_space<hbm>>
      %dma_wait3A_17 = tpu.memref_squeeze %dma_wait3A_16 : memref<1x640x128xf32, #tpu.memory_space<hbm>> -> memref<640x128xf32, #tpu.memory_space<hbm>>
      %dma_wait3A_18 = arith.constant 0 : i32
      %dma_wait3A_19 = tpu.memref_slice %arg12[%mul3A_9, %dma_wait3A_18] : memref<10240x128xf32, #tpu.memory_space<vmem_shared>> -> memref<640x128xf32, #tpu.memory_space<vmem_shared>>
      tpu.wait_dma2 semaphore(%run_scoped3A : memref<!tpu.dma_semaphore, #tpu.memory_space<semaphore_mem>>) src(%dma_wait3A_19 : memref<640x128xf32, #tpu.memory_space<vmem_shared>>) dst(%dma_wait3A_17 : memref<640x128xf32, #tpu.memory_space<hbm>>)
      tpu.yield
    }) : () -> ()
    return
  }
}

#map = affine_map<(d0, d1) -> (0, 0)>
#map1 = affine_map<(d0, d1) -> (0, 0, 0)>
module attributes {stable_mosaic.version = 14 : i64} {
  func.func @body(%arg0: i32, %arg1: i32, %arg2: memref<10240x128xf32, #tpu.memory_space<hbm>>, %arg3: memref<16x95x128xi32, #tpu.memory_space<hbm>>, %arg4: memref<16x95x128xi32, #tpu.memory_space<hbm>>, %arg5: memref<16x63x128xi32, #tpu.memory_space<hbm>>, %arg6: memref<16x63x128xi32, #tpu.memory_space<hbm>>, %arg7: memref<640x128xf32, #tpu.memory_space<hbm>>, %arg8: memref<2x10240x128xf32, #tpu.memory_space<hbm>>, %arg9: memref<95x128xi32, #tpu.memory_space<vmem>>, %arg10: memref<95x128xi32, #tpu.memory_space<vmem>>, %arg11: memref<128x128xf32, #tpu.memory_space<vmem>>, %arg12: memref<10240x128xf32, #tpu.memory_space<vmem_shared>>, %arg13: memref<!tpu.dma_semaphore, #tpu.memory_space<semaphore_mem>>) attributes {dimension_semantics = [#tpu.dimension_semantics<core_parallel>, #tpu.dimension_semantics<subcore_parallel>], iteration_bounds = array<i64: 2, 16>, scalar_prefetch = 0 : i64, scratch_operands = 5 : i64, tpu.core_type = #tpu.core_type<sc_vector_subcore>, window_params = [{transform_indices = #map}, {transform_indices = #map1}, {transform_indices = #map1}, {transform_indices = #map1}, {transform_indices = #map1}, {transform_indices = #map}, {transform_indices = #map1}]} {
    %mul3A = arith.constant 640 : i32
    %mul3A_0 = arith.muli %arg1, %mul3A : i32
    "tpu.region"() ({
      %run_scoped3A = tpu.sem_alloc : memref<!tpu.dma_semaphore, #tpu.memory_space<semaphore_mem>>
      %dma_start3A = arith.constant 0 : i32
      %dma_start3A_12 = tpu.memref_slice %arg12[%mul3A_0, %dma_start3A] : memref<10240x128xf32, #tpu.memory_space<vmem_shared>> -> memref<640x128xf32, #tpu.memory_space<vmem_shared>>
      tpu.enqueue_dma source(%arg7 : memref<640x128xf32, #tpu.memory_space<hbm>>) target(%dma_start3A_12 : memref<640x128xf32, #tpu.memory_space<vmem_shared>>) target_semaphore(%run_scoped3A : memref<!tpu.dma_semaphore, #tpu.memory_space<semaphore_mem>>)
      %dma_wait3A = arith.constant 0 : i32
      %dma_wait3A_13 = tpu.memref_slice %arg12[%mul3A_0, %dma_wait3A] : memref<10240x128xf32, #tpu.memory_space<vmem_shared>> -> memref<640x128xf32, #tpu.memory_space<vmem_shared>>
      tpu.wait_dma2 semaphore(%run_scoped3A : memref<!tpu.dma_semaphore, #tpu.memory_space<semaphore_mem>>) src(%arg7 : memref<640x128xf32, #tpu.memory_space<hbm>>) dst(%dma_wait3A_13 : memref<640x128xf32, #tpu.memory_space<vmem_shared>>)
      tpu.yield
    }) : () -> ()
    %eq3A = arith.constant 0 : i32
    %eq3A_1 = arith.cmpi eq, %arg0, %eq3A : i32
    %convert_element_type3A = arith.extui %eq3A_1 : i1 to i32
    %cond3A = arith.constant 0 : i32
    %cond3A_2 = arith.cmpi ne, %convert_element_type3A, %cond3A : i32
    scf.if %cond3A_2 {
      "tpu.region"() ({
        %run_scoped3A = tpu.sem_alloc : memref<!tpu.dma_semaphore, #tpu.memory_space<semaphore_mem>>
        %dma_start3A = arith.constant 0 : i32
        %dma_start3A_18 = arith.constant 0 : i32
        %dma_start3A_19 = tpu.memref_slice %arg9[%dma_start3A, %dma_start3A_18] : memref<95x128xi32, #tpu.memory_space<vmem>> -> memref<95x128xi32, #tpu.memory_space<vmem>>
        %dma_start3A_20 = arith.constant 0 : i32
        %dma_start3A_21 = arith.constant 0 : i32
        %dma_start3A_22 = tpu.memref_slice %arg3[%arg1, %dma_start3A_20, %dma_start3A_21] : memref<16x95x128xi32, #tpu.memory_space<hbm>> -> memref<1x95x128xi32, #tpu.memory_space<hbm>>
        %dma_start3A_23 = tpu.memref_squeeze %dma_start3A_22 : memref<1x95x128xi32, #tpu.memory_space<hbm>> -> memref<95x128xi32, #tpu.memory_space<hbm>>
        %dma_start3A_24 = arith.constant 0 : i32
        %dma_start3A_25 = arith.constant 0 : i32
        %dma_start3A_26 = tpu.memref_slice %arg9[%dma_start3A_24, %dma_start3A_25] : memref<95x128xi32, #tpu.memory_space<vmem>> -> memref<95x128xi32, #tpu.memory_space<vmem>>
        %dma_start3A_27 = arith.constant 0 : i32
        %dma_start3A_28 = arith.constant 0 : i32
        %dma_start3A_29 = tpu.memref_slice %arg3[%arg1, %dma_start3A_27, %dma_start3A_28] : memref<16x95x128xi32, #tpu.memory_space<hbm>> -> memref<1x95x128xi32, #tpu.memory_space<hbm>>
        %dma_start3A_30 = tpu.memref_squeeze %dma_start3A_29 : memref<1x95x128xi32, #tpu.memory_space<hbm>> -> memref<95x128xi32, #tpu.memory_space<hbm>>
        tpu.enqueue_dma source(%dma_start3A_30 : memref<95x128xi32, #tpu.memory_space<hbm>>) target(%dma_start3A_26 : memref<95x128xi32, #tpu.memory_space<vmem>>) target_semaphore(%run_scoped3A : memref<!tpu.dma_semaphore, #tpu.memory_space<semaphore_mem>>)
        %dma_wait3A = arith.constant 0 : i32
        %dma_wait3A_31 = arith.constant 0 : i32
        %dma_wait3A_32 = tpu.memref_slice %arg9[%dma_wait3A, %dma_wait3A_31] : memref<95x128xi32, #tpu.memory_space<vmem>> -> memref<95x128xi32, #tpu.memory_space<vmem>>
        %dma_wait3A_33 = arith.constant 0 : i32
        %dma_wait3A_34 = arith.constant 0 : i32
        %dma_wait3A_35 = tpu.memref_slice %arg3[%arg1, %dma_wait3A_33, %dma_wait3A_34] : memref<16x95x128xi32, #tpu.memory_space<hbm>> -> memref<1x95x128xi32, #tpu.memory_space<hbm>>
        %dma_wait3A_36 = tpu.memref_squeeze %dma_wait3A_35 : memref<1x95x128xi32, #tpu.memory_space<hbm>> -> memref<95x128xi32, #tpu.memory_space<hbm>>
        %dma_wait3A_37 = arith.constant 0 : i32
        %dma_wait3A_38 = arith.constant 0 : i32
        %dma_wait3A_39 = tpu.memref_slice %arg9[%dma_wait3A_37, %dma_wait3A_38] : memref<95x128xi32, #tpu.memory_space<vmem>> -> memref<95x128xi32, #tpu.memory_space<vmem>>
        %dma_wait3A_40 = arith.constant 0 : i32
        %dma_wait3A_41 = arith.constant 0 : i32
        %dma_wait3A_42 = tpu.memref_slice %arg3[%arg1, %dma_wait3A_40, %dma_wait3A_41] : memref<16x95x128xi32, #tpu.memory_space<hbm>> -> memref<1x95x128xi32, #tpu.memory_space<hbm>>
        %dma_wait3A_43 = tpu.memref_squeeze %dma_wait3A_42 : memref<1x95x128xi32, #tpu.memory_space<hbm>> -> memref<95x128xi32, #tpu.memory_space<hbm>>
        tpu.wait_dma2 semaphore(%run_scoped3A : memref<!tpu.dma_semaphore, #tpu.memory_space<semaphore_mem>>) src(%dma_wait3A_43 : memref<95x128xi32, #tpu.memory_space<hbm>>) dst(%dma_wait3A_39 : memref<95x128xi32, #tpu.memory_space<vmem>>)
        tpu.yield
      }) : () -> ()
      "tpu.region"() ({
        %run_scoped3A = tpu.sem_alloc : memref<!tpu.dma_semaphore, #tpu.memory_space<semaphore_mem>>
        %dma_start3A = arith.constant 0 : i32
        %dma_start3A_18 = arith.constant 0 : i32
        %dma_start3A_19 = tpu.memref_slice %arg10[%dma_start3A, %dma_start3A_18] : memref<95x128xi32, #tpu.memory_space<vmem>> -> memref<95x128xi32, #tpu.memory_space<vmem>>
        %dma_start3A_20 = arith.constant 0 : i32
        %dma_start3A_21 = arith.constant 0 : i32
        %dma_start3A_22 = tpu.memref_slice %arg4[%arg1, %dma_start3A_20, %dma_start3A_21] : memref<16x95x128xi32, #tpu.memory_space<hbm>> -> memref<1x95x128xi32, #tpu.memory_space<hbm>>
        %dma_start3A_23 = tpu.memref_squeeze %dma_start3A_22 : memref<1x95x128xi32, #tpu.memory_space<hbm>> -> memref<95x128xi32, #tpu.memory_space<hbm>>
        %dma_start3A_24 = arith.constant 0 : i32
        %dma_start3A_25 = arith.constant 0 : i32
        %dma_start3A_26 = tpu.memref_slice %arg10[%dma_start3A_24, %dma_start3A_25] : memref<95x128xi32, #tpu.memory_space<vmem>> -> memref<95x128xi32, #tpu.memory_space<vmem>>
        %dma_start3A_27 = arith.constant 0 : i32
        %dma_start3A_28 = arith.constant 0 : i32
        %dma_start3A_29 = tpu.memref_slice %arg4[%arg1, %dma_start3A_27, %dma_start3A_28] : memref<16x95x128xi32, #tpu.memory_space<hbm>> -> memref<1x95x128xi32, #tpu.memory_space<hbm>>
        %dma_start3A_30 = tpu.memref_squeeze %dma_start3A_29 : memref<1x95x128xi32, #tpu.memory_space<hbm>> -> memref<95x128xi32, #tpu.memory_space<hbm>>
        tpu.enqueue_dma source(%dma_start3A_30 : memref<95x128xi32, #tpu.memory_space<hbm>>) target(%dma_start3A_26 : memref<95x128xi32, #tpu.memory_space<vmem>>) target_semaphore(%run_scoped3A : memref<!tpu.dma_semaphore, #tpu.memory_space<semaphore_mem>>)
        %dma_wait3A = arith.constant 0 : i32
        %dma_wait3A_31 = arith.constant 0 : i32
        %dma_wait3A_32 = tpu.memref_slice %arg10[%dma_wait3A, %dma_wait3A_31] : memref<95x128xi32, #tpu.memory_space<vmem>> -> memref<95x128xi32, #tpu.memory_space<vmem>>
        %dma_wait3A_33 = arith.constant 0 : i32
        %dma_wait3A_34 = arith.constant 0 : i32
        %dma_wait3A_35 = tpu.memref_slice %arg4[%arg1, %dma_wait3A_33, %dma_wait3A_34] : memref<16x95x128xi32, #tpu.memory_space<hbm>> -> memref<1x95x128xi32, #tpu.memory_space<hbm>>
        %dma_wait3A_36 = tpu.memref_squeeze %dma_wait3A_35 : memref<1x95x128xi32, #tpu.memory_space<hbm>> -> memref<95x128xi32, #tpu.memory_space<hbm>>
        %dma_wait3A_37 = arith.constant 0 : i32
        %dma_wait3A_38 = arith.constant 0 : i32
        %dma_wait3A_39 = tpu.memref_slice %arg10[%dma_wait3A_37, %dma_wait3A_38] : memref<95x128xi32, #tpu.memory_space<vmem>> -> memref<95x128xi32, #tpu.memory_space<vmem>>
        %dma_wait3A_40 = arith.constant 0 : i32
        %dma_wait3A_41 = arith.constant 0 : i32
        %dma_wait3A_42 = tpu.memref_slice %arg4[%arg1, %dma_wait3A_40, %dma_wait3A_41] : memref<16x95x128xi32, #tpu.memory_space<hbm>> -> memref<1x95x128xi32, #tpu.memory_space<hbm>>
        %dma_wait3A_43 = tpu.memref_squeeze %dma_wait3A_42 : memref<1x95x128xi32, #tpu.memory_space<hbm>> -> memref<95x128xi32, #tpu.memory_space<hbm>>
        tpu.wait_dma2 semaphore(%run_scoped3A : memref<!tpu.dma_semaphore, #tpu.memory_space<semaphore_mem>>) src(%dma_wait3A_43 : memref<95x128xi32, #tpu.memory_space<hbm>>) dst(%dma_wait3A_39 : memref<95x128xi32, #tpu.memory_space<vmem>>)
        tpu.yield
      }) : () -> ()
      %barrier3A_12 = arith.constant 0 : index
      tpu.barrier barrier_id(%barrier3A_12)
      %scan3A = arith.constant 0 : i32
      %scan3A_13 = arith.constant 0 : i32
      %scan3A_14 = arith.constant 95 : i32
      %scan3A_15 = arith.addi %scan3A_13, %scan3A_14 : i32
      %scan3A_16 = arith.constant 1 : i32
      scf.for %scan3A_18 = %scan3A_13 to %scan3A_15 step %scan3A_16  : i32 {
        %dma_start3A = arith.constant 0 : i32
        %dma_start3A_19 = tpu.memref_slice %arg9[%scan3A_18, %dma_start3A] : memref<95x128xi32, #tpu.memory_space<vmem>> -> memref<1x128xi32, #tpu.memory_space<vmem>>
        %dma_start3A_20 = tpu.memref_squeeze %dma_start3A_19 : memref<1x128xi32, #tpu.memory_space<vmem>> -> memref<128xi32, #tpu.memory_space<vmem>>
        %dma_start3A_21 = arith.constant 0 : i32
        %dma_start3A_22 = arith.constant 0 : i32
        %dma_start3A_23 = tpu.memref_slice %arg2[%dma_start3A_21, %dma_start3A_22] : memref<10240x128xf32, #tpu.memory_space<hbm>> -> memref<10240x128xf32, #tpu.memory_space<hbm>>
        tpu.enqueue_indirect_dma source(%dma_start3A_23 : memref<10240x128xf32, #tpu.memory_space<hbm>>) target(%arg11 : memref<128x128xf32, #tpu.memory_space<vmem>>) offsets(%dma_start3A_20 : memref<128xi32, #tpu.memory_space<vmem>>) semaphore(%arg13 : memref<!tpu.dma_semaphore, #tpu.memory_space<semaphore_mem>>)
        %dma_wait3A = arith.constant 0 : i32
        %dma_wait3A_24 = tpu.memref_slice %arg9[%scan3A_18, %dma_wait3A] : memref<95x128xi32, #tpu.memory_space<vmem>> -> memref<1x128xi32, #tpu.memory_space<vmem>>
        %dma_wait3A_25 = tpu.memref_squeeze %dma_wait3A_24 : memref<1x128xi32, #tpu.memory_space<vmem>> -> memref<128xi32, #tpu.memory_space<vmem>>
        %dma_wait3A_26 = arith.constant 0 : i32
        %dma_wait3A_27 = arith.constant 0 : i32
        %dma_wait3A_28 = tpu.memref_slice %arg2[%dma_wait3A_26, %dma_wait3A_27] : memref<10240x128xf32, #tpu.memory_space<hbm>> -> memref<10240x128xf32, #tpu.memory_space<hbm>>
        tpu.wait_indirect_dma semaphore(%arg13 : memref<!tpu.dma_semaphore, #tpu.memory_space<semaphore_mem>>) src(%dma_wait3A_28 : memref<10240x128xf32, #tpu.memory_space<hbm>>) dst(%arg11 : memref<128x128xf32, #tpu.memory_space<vmem>>)
        "tpu.region"() ({
          %run_scoped3A = tpu.sem_alloc : memref<!tpu.dma_semaphore, #tpu.memory_space<semaphore_mem>>
          %dma_start3A_29 = arith.constant 0 : i32
          %dma_start3A_30 = tpu.memref_slice %arg10[%scan3A_18, %dma_start3A_29] : memref<95x128xi32, #tpu.memory_space<vmem>> -> memref<1x128xi32, #tpu.memory_space<vmem>>
          %dma_start3A_31 = tpu.memref_squeeze %dma_start3A_30 : memref<1x128xi32, #tpu.memory_space<vmem>> -> memref<128xi32, #tpu.memory_space<vmem>>
          %dma_start3A_32 = arith.constant 0 : i32
          %dma_start3A_33 = arith.constant 0 : i32
          %dma_start3A_34 = tpu.memref_slice %arg12[%dma_start3A_32, %dma_start3A_33] : memref<10240x128xf32, #tpu.memory_space<vmem_shared>> -> memref<10240x128xf32, #tpu.memory_space<vmem_shared>>
          tpu.enqueue_indirect_dma source(%arg11 : memref<128x128xf32, #tpu.memory_space<vmem>>) target(%dma_start3A_34 : memref<10240x128xf32, #tpu.memory_space<vmem_shared>>) offsets(%dma_start3A_31 : memref<128xi32, #tpu.memory_space<vmem>>) semaphore(%run_scoped3A : memref<!tpu.dma_semaphore, #tpu.memory_space<semaphore_mem>>) {add = true}
          %dma_wait3A_35 = arith.constant 0 : i32
          %dma_wait3A_36 = tpu.memref_slice %arg10[%scan3A_18, %dma_wait3A_35] : memref<95x128xi32, #tpu.memory_space<vmem>> -> memref<1x128xi32, #tpu.memory_space<vmem>>
          %dma_wait3A_37 = tpu.memref_squeeze %dma_wait3A_36 : memref<1x128xi32, #tpu.memory_space<vmem>> -> memref<128xi32, #tpu.memory_space<vmem>>
          %dma_wait3A_38 = arith.constant 0 : i32
          %dma_wait3A_39 = arith.constant 0 : i32
          %dma_wait3A_40 = tpu.memref_slice %arg12[%dma_wait3A_38, %dma_wait3A_39] : memref<10240x128xf32, #tpu.memory_space<vmem_shared>> -> memref<10240x128xf32, #tpu.memory_space<vmem_shared>>
          tpu.wait_indirect_dma semaphore(%run_scoped3A : memref<!tpu.dma_semaphore, #tpu.memory_space<semaphore_mem>>) src(%arg11 : memref<128x128xf32, #tpu.memory_space<vmem>>) dst(%dma_wait3A_40 : memref<10240x128xf32, #tpu.memory_space<vmem_shared>>)
          tpu.yield
        }) : () -> ()
      }
      %scan3A_17 = arith.constant 95 : i32
    } else {
    }
    %eq3A_3 = arith.constant 1 : i32
    %eq3A_4 = arith.cmpi eq, %arg0, %eq3A_3 : i32
    %convert_element_type3A_5 = arith.extui %eq3A_4 : i1 to i32
    %cond3A_6 = arith.constant 0 : i32
    %cond3A_7 = arith.cmpi ne, %convert_element_type3A_5, %cond3A_6 : i32
    scf.if %cond3A_7 {
      "tpu.region"() ({
        %run_scoped3A = tpu.sem_alloc : memref<!tpu.dma_semaphore, #tpu.memory_space<semaphore_mem>>
        %dma_start3A = arith.constant 0 : i32
        %dma_start3A_18 = arith.constant 0 : i32
        %dma_start3A_19 = tpu.memref_slice %arg9[%dma_start3A, %dma_start3A_18] : memref<95x128xi32, #tpu.memory_space<vmem>> -> memref<63x128xi32, #tpu.memory_space<vmem>>
        %dma_start3A_20 = arith.constant 0 : i32
        %dma_start3A_21 = arith.constant 0 : i32
        %dma_start3A_22 = tpu.memref_slice %arg5[%arg1, %dma_start3A_20, %dma_start3A_21] : memref<16x63x128xi32, #tpu.memory_space<hbm>> -> memref<1x63x128xi32, #tpu.memory_space<hbm>>
        %dma_start3A_23 = tpu.memref_squeeze %dma_start3A_22 : memref<1x63x128xi32, #tpu.memory_space<hbm>> -> memref<63x128xi32, #tpu.memory_space<hbm>>
        %dma_start3A_24 = arith.constant 0 : i32
        %dma_start3A_25 = arith.constant 0 : i32
        %dma_start3A_26 = tpu.memref_slice %arg9[%dma_start3A_24, %dma_start3A_25] : memref<95x128xi32, #tpu.memory_space<vmem>> -> memref<63x128xi32, #tpu.memory_space<vmem>>
        %dma_start3A_27 = arith.constant 0 : i32
        %dma_start3A_28 = arith.constant 0 : i32
        %dma_start3A_29 = tpu.memref_slice %arg5[%arg1, %dma_start3A_27, %dma_start3A_28] : memref<16x63x128xi32, #tpu.memory_space<hbm>> -> memref<1x63x128xi32, #tpu.memory_space<hbm>>
        %dma_start3A_30 = tpu.memref_squeeze %dma_start3A_29 : memref<1x63x128xi32, #tpu.memory_space<hbm>> -> memref<63x128xi32, #tpu.memory_space<hbm>>
        tpu.enqueue_dma source(%dma_start3A_30 : memref<63x128xi32, #tpu.memory_space<hbm>>) target(%dma_start3A_26 : memref<63x128xi32, #tpu.memory_space<vmem>>) target_semaphore(%run_scoped3A : memref<!tpu.dma_semaphore, #tpu.memory_space<semaphore_mem>>)
        %dma_wait3A = arith.constant 0 : i32
        %dma_wait3A_31 = arith.constant 0 : i32
        %dma_wait3A_32 = tpu.memref_slice %arg9[%dma_wait3A, %dma_wait3A_31] : memref<95x128xi32, #tpu.memory_space<vmem>> -> memref<63x128xi32, #tpu.memory_space<vmem>>
        %dma_wait3A_33 = arith.constant 0 : i32
        %dma_wait3A_34 = arith.constant 0 : i32
        %dma_wait3A_35 = tpu.memref_slice %arg5[%arg1, %dma_wait3A_33, %dma_wait3A_34] : memref<16x63x128xi32, #tpu.memory_space<hbm>> -> memref<1x63x128xi32, #tpu.memory_space<hbm>>
        %dma_wait3A_36 = tpu.memref_squeeze %dma_wait3A_35 : memref<1x63x128xi32, #tpu.memory_space<hbm>> -> memref<63x128xi32, #tpu.memory_space<hbm>>
        %dma_wait3A_37 = arith.constant 0 : i32
        %dma_wait3A_38 = arith.constant 0 : i32
        %dma_wait3A_39 = tpu.memref_slice %arg9[%dma_wait3A_37, %dma_wait3A_38] : memref<95x128xi32, #tpu.memory_space<vmem>> -> memref<63x128xi32, #tpu.memory_space<vmem>>
        %dma_wait3A_40 = arith.constant 0 : i32
        %dma_wait3A_41 = arith.constant 0 : i32
        %dma_wait3A_42 = tpu.memref_slice %arg5[%arg1, %dma_wait3A_40, %dma_wait3A_41] : memref<16x63x128xi32, #tpu.memory_space<hbm>> -> memref<1x63x128xi32, #tpu.memory_space<hbm>>
        %dma_wait3A_43 = tpu.memref_squeeze %dma_wait3A_42 : memref<1x63x128xi32, #tpu.memory_space<hbm>> -> memref<63x128xi32, #tpu.memory_space<hbm>>
        tpu.wait_dma2 semaphore(%run_scoped3A : memref<!tpu.dma_semaphore, #tpu.memory_space<semaphore_mem>>) src(%dma_wait3A_43 : memref<63x128xi32, #tpu.memory_space<hbm>>) dst(%dma_wait3A_39 : memref<63x128xi32, #tpu.memory_space<vmem>>)
        tpu.yield
      }) : () -> ()
      "tpu.region"() ({
        %run_scoped3A = tpu.sem_alloc : memref<!tpu.dma_semaphore, #tpu.memory_space<semaphore_mem>>
        %dma_start3A = arith.constant 0 : i32
        %dma_start3A_18 = arith.constant 0 : i32
        %dma_start3A_19 = tpu.memref_slice %arg10[%dma_start3A, %dma_start3A_18] : memref<95x128xi32, #tpu.memory_space<vmem>> -> memref<63x128xi32, #tpu.memory_space<vmem>>
        %dma_start3A_20 = arith.constant 0 : i32
        %dma_start3A_21 = arith.constant 0 : i32
        %dma_start3A_22 = tpu.memref_slice %arg6[%arg1, %dma_start3A_20, %dma_start3A_21] : memref<16x63x128xi32, #tpu.memory_space<hbm>> -> memref<1x63x128xi32, #tpu.memory_space<hbm>>
        %dma_start3A_23 = tpu.memref_squeeze %dma_start3A_22 : memref<1x63x128xi32, #tpu.memory_space<hbm>> -> memref<63x128xi32, #tpu.memory_space<hbm>>
        %dma_start3A_24 = arith.constant 0 : i32
        %dma_start3A_25 = arith.constant 0 : i32
        %dma_start3A_26 = tpu.memref_slice %arg10[%dma_start3A_24, %dma_start3A_25] : memref<95x128xi32, #tpu.memory_space<vmem>> -> memref<63x128xi32, #tpu.memory_space<vmem>>
        %dma_start3A_27 = arith.constant 0 : i32
        %dma_start3A_28 = arith.constant 0 : i32
        %dma_start3A_29 = tpu.memref_slice %arg6[%arg1, %dma_start3A_27, %dma_start3A_28] : memref<16x63x128xi32, #tpu.memory_space<hbm>> -> memref<1x63x128xi32, #tpu.memory_space<hbm>>
        %dma_start3A_30 = tpu.memref_squeeze %dma_start3A_29 : memref<1x63x128xi32, #tpu.memory_space<hbm>> -> memref<63x128xi32, #tpu.memory_space<hbm>>
        tpu.enqueue_dma source(%dma_start3A_30 : memref<63x128xi32, #tpu.memory_space<hbm>>) target(%dma_start3A_26 : memref<63x128xi32, #tpu.memory_space<vmem>>) target_semaphore(%run_scoped3A : memref<!tpu.dma_semaphore, #tpu.memory_space<semaphore_mem>>)
        %dma_wait3A = arith.constant 0 : i32
        %dma_wait3A_31 = arith.constant 0 : i32
        %dma_wait3A_32 = tpu.memref_slice %arg10[%dma_wait3A, %dma_wait3A_31] : memref<95x128xi32, #tpu.memory_space<vmem>> -> memref<63x128xi32, #tpu.memory_space<vmem>>
        %dma_wait3A_33 = arith.constant 0 : i32
        %dma_wait3A_34 = arith.constant 0 : i32
        %dma_wait3A_35 = tpu.memref_slice %arg6[%arg1, %dma_wait3A_33, %dma_wait3A_34] : memref<16x63x128xi32, #tpu.memory_space<hbm>> -> memref<1x63x128xi32, #tpu.memory_space<hbm>>
        %dma_wait3A_36 = tpu.memref_squeeze %dma_wait3A_35 : memref<1x63x128xi32, #tpu.memory_space<hbm>> -> memref<63x128xi32, #tpu.memory_space<hbm>>
        %dma_wait3A_37 = arith.constant 0 : i32
        %dma_wait3A_38 = arith.constant 0 : i32
        %dma_wait3A_39 = tpu.memref_slice %arg10[%dma_wait3A_37, %dma_wait3A_38] : memref<95x128xi32, #tpu.memory_space<vmem>> -> memref<63x128xi32, #tpu.memory_space<vmem>>
        %dma_wait3A_40 = arith.constant 0 : i32
        %dma_wait3A_41 = arith.constant 0 : i32
        %dma_wait3A_42 = tpu.memref_slice %arg6[%arg1, %dma_wait3A_40, %dma_wait3A_41] : memref<16x63x128xi32, #tpu.memory_space<hbm>> -> memref<1x63x128xi32, #tpu.memory_space<hbm>>
        %dma_wait3A_43 = tpu.memref_squeeze %dma_wait3A_42 : memref<1x63x128xi32, #tpu.memory_space<hbm>> -> memref<63x128xi32, #tpu.memory_space<hbm>>
        tpu.wait_dma2 semaphore(%run_scoped3A : memref<!tpu.dma_semaphore, #tpu.memory_space<semaphore_mem>>) src(%dma_wait3A_43 : memref<63x128xi32, #tpu.memory_space<hbm>>) dst(%dma_wait3A_39 : memref<63x128xi32, #tpu.memory_space<vmem>>)
        tpu.yield
      }) : () -> ()
      %barrier3A_12 = arith.constant 0 : index
      tpu.barrier barrier_id(%barrier3A_12)
      %scan3A = arith.constant 0 : i32
      %scan3A_13 = arith.constant 0 : i32
      %scan3A_14 = arith.constant 63 : i32
      %scan3A_15 = arith.addi %scan3A_13, %scan3A_14 : i32
      %scan3A_16 = arith.constant 1 : i32
      scf.for %scan3A_18 = %scan3A_13 to %scan3A_15 step %scan3A_16  : i32 {
        %dma_start3A = arith.constant 0 : i32
        %dma_start3A_19 = tpu.memref_slice %arg9[%scan3A_18, %dma_start3A] : memref<95x128xi32, #tpu.memory_space<vmem>> -> memref<1x128xi32, #tpu.memory_space<vmem>>
        %dma_start3A_20 = tpu.memref_squeeze %dma_start3A_19 : memref<1x128xi32, #tpu.memory_space<vmem>> -> memref<128xi32, #tpu.memory_space<vmem>>
        %dma_start3A_21 = arith.constant 0 : i32
        %dma_start3A_22 = arith.constant 0 : i32
        %dma_start3A_23 = tpu.memref_slice %arg2[%dma_start3A_21, %dma_start3A_22] : memref<10240x128xf32, #tpu.memory_space<hbm>> -> memref<10240x128xf32, #tpu.memory_space<hbm>>
        tpu.enqueue_indirect_dma source(%dma_start3A_23 : memref<10240x128xf32, #tpu.memory_space<hbm>>) target(%arg11 : memref<128x128xf32, #tpu.memory_space<vmem>>) offsets(%dma_start3A_20 : memref<128xi32, #tpu.memory_space<vmem>>) semaphore(%arg13 : memref<!tpu.dma_semaphore, #tpu.memory_space<semaphore_mem>>)
        %dma_wait3A = arith.constant 0 : i32
        %dma_wait3A_24 = tpu.memref_slice %arg9[%scan3A_18, %dma_wait3A] : memref<95x128xi32, #tpu.memory_space<vmem>> -> memref<1x128xi32, #tpu.memory_space<vmem>>
        %dma_wait3A_25 = tpu.memref_squeeze %dma_wait3A_24 : memref<1x128xi32, #tpu.memory_space<vmem>> -> memref<128xi32, #tpu.memory_space<vmem>>
        %dma_wait3A_26 = arith.constant 0 : i32
        %dma_wait3A_27 = arith.constant 0 : i32
        %dma_wait3A_28 = tpu.memref_slice %arg2[%dma_wait3A_26, %dma_wait3A_27] : memref<10240x128xf32, #tpu.memory_space<hbm>> -> memref<10240x128xf32, #tpu.memory_space<hbm>>
        tpu.wait_indirect_dma semaphore(%arg13 : memref<!tpu.dma_semaphore, #tpu.memory_space<semaphore_mem>>) src(%dma_wait3A_28 : memref<10240x128xf32, #tpu.memory_space<hbm>>) dst(%arg11 : memref<128x128xf32, #tpu.memory_space<vmem>>)
        "tpu.region"() ({
          %run_scoped3A = tpu.sem_alloc : memref<!tpu.dma_semaphore, #tpu.memory_space<semaphore_mem>>
          %dma_start3A_29 = arith.constant 0 : i32
          %dma_start3A_30 = tpu.memref_slice %arg10[%scan3A_18, %dma_start3A_29] : memref<95x128xi32, #tpu.memory_space<vmem>> -> memref<1x128xi32, #tpu.memory_space<vmem>>
          %dma_start3A_31 = tpu.memref_squeeze %dma_start3A_30 : memref<1x128xi32, #tpu.memory_space<vmem>> -> memref<128xi32, #tpu.memory_space<vmem>>
          %dma_start3A_32 = arith.constant 0 : i32
          %dma_start3A_33 = arith.constant 0 : i32
          %dma_start3A_34 = tpu.memref_slice %arg12[%dma_start3A_32, %dma_start3A_33] : memref<10240x128xf32, #tpu.memory_space<vmem_shared>> -> memref<10240x128xf32, #tpu.memory_space<vmem_shared>>
          tpu.enqueue_indirect_dma source(%arg11 : memref<128x128xf32, #tpu.memory_space<vmem>>) target(%dma_start3A_34 : memref<10240x128xf32, #tpu.memory_space<vmem_shared>>) offsets(%dma_start3A_31 : memref<128xi32, #tpu.memory_space<vmem>>) semaphore(%run_scoped3A : memref<!tpu.dma_semaphore, #tpu.memory_space<semaphore_mem>>) {add = true}
          %dma_wait3A_35 = arith.constant 0 : i32
          %dma_wait3A_36 = tpu.memref_slice %arg10[%scan3A_18, %dma_wait3A_35] : memref<95x128xi32, #tpu.memory_space<vmem>> -> memref<1x128xi32, #tpu.memory_space<vmem>>
          %dma_wait3A_37 = tpu.memref_squeeze %dma_wait3A_36 : memref<1x128xi32, #tpu.memory_space<vmem>> -> memref<128xi32, #tpu.memory_space<vmem>>
          %dma_wait3A_38 = arith.constant 0 : i32
          %dma_wait3A_39 = arith.constant 0 : i32
          %dma_wait3A_40 = tpu.memref_slice %arg12[%dma_wait3A_38, %dma_wait3A_39] : memref<10240x128xf32, #tpu.memory_space<vmem_shared>> -> memref<10240x128xf32, #tpu.memory_space<vmem_shared>>
          tpu.wait_indirect_dma semaphore(%run_scoped3A : memref<!tpu.dma_semaphore, #tpu.memory_space<semaphore_mem>>) src(%arg11 : memref<128x128xf32, #tpu.memory_space<vmem>>) dst(%dma_wait3A_40 : memref<10240x128xf32, #tpu.memory_space<vmem_shared>>)
          tpu.yield
        }) : () -> ()
      }
      %scan3A_17 = arith.constant 63 : i32
    } else {
    }
    %barrier3A = arith.constant 0 : index
    tpu.barrier barrier_id(%barrier3A)
    %mul3A_8 = arith.constant 640 : i32
    %mul3A_9 = arith.muli %arg1, %mul3A_8 : i32
    %mul3A_10 = arith.constant 640 : i32
    %mul3A_11 = arith.muli %arg1, %mul3A_10 : i32
    "tpu.region"() ({
      %run_scoped3A = tpu.sem_alloc : memref<!tpu.dma_semaphore, #tpu.memory_space<semaphore_mem>>
      %dma_start3A = arith.constant 0 : i32
      %dma_start3A_12 = tpu.memref_slice %arg8[%arg0, %mul3A_11, %dma_start3A] : memref<2x10240x128xf32, #tpu.memory_space<hbm>> -> memref<1x640x128xf32, #tpu.memory_space<hbm>>
      %dma_start3A_13 = tpu.memref_squeeze %dma_start3A_12 : memref<1x640x128xf32, #tpu.memory_space<hbm>> -> memref<640x128xf32, #tpu.memory_space<hbm>>
      %dma_start3A_14 = arith.constant 0 : i32
      %dma_start3A_15 = tpu.memref_slice %arg12[%mul3A_9, %dma_start3A_14] : memref<10240x128xf32, #tpu.memory_space<vmem_shared>> -> memref<640x128xf32, #tpu.memory_space<vmem_shared>>
      tpu.enqueue_dma source(%dma_start3A_15 : memref<640x128xf32, #tpu.memory_space<vmem_shared>>) target(%dma_start3A_13 : memref<640x128xf32, #tpu.memory_space<hbm>>) target_semaphore(%run_scoped3A : memref<!tpu.dma_semaphore, #tpu.memory_space<semaphore_mem>>)
      %dma_wait3A = arith.constant 0 : i32
      %dma_wait3A_16 = tpu.memref_slice %arg8[%arg0, %mul3A_11, %dma_wait3A] : memref<2x10240x128xf32, #tpu.memory_space<hbm>> -> memref<1x640x128xf32, #tpu.memory_space<hbm>>
      %dma_wait3A_17 = tpu.memref_squeeze %dma_wait3A_16 : memref<1x640x128xf32, #tpu.memory_space<hbm>> -> memref<640x128xf32, #tpu.memory_space<hbm>>
      %dma_wait3A_18 = arith.constant 0 : i32
      %dma_wait3A_19 = tpu.memref_slice %arg12[%mul3A_9, %dma_wait3A_18] : memref<10240x128xf32, #tpu.memory_space<vmem_shared>> -> memref<640x128xf32, #tpu.memory_space<vmem_shared>>
      tpu.wait_dma2 semaphore(%run_scoped3A : memref<!tpu.dma_semaphore, #tpu.memory_space<semaphore_mem>>) src(%dma_wait3A_19 : memref<640x128xf32, #tpu.memory_space<vmem_shared>>) dst(%dma_wait3A_17 : memref<640x128xf32, #tpu.memory_space<hbm>>)
      tpu.yield
    }) : () -> ()
    return
  }
}

module attributes {stable_mosaic.version = 14 : i64} {
  func.func @_tc_mm1_body(%arg0: i32, %arg1: memref<256x128xf32, #tpu.memory_space<vmem>>, %arg2: memref<128x128xf32, #tpu.memory_space<vmem>>, %arg3: memref<256x128xf32, #tpu.memory_space<vmem>>, %arg4: memref<256x128xf32, #tpu.memory_space<vmem>>, %arg5: memref<256x128xf32, #tpu.memory_space<vmem>>) attributes {dimension_semantics = [#tpu.dimension_semantics<arbitrary>], iteration_bounds = array<i64: 40>, scalar_prefetch = 0 : i64, scratch_operands = 0 : i64, tpu.core_type = #tpu.core_type<tc>, window_params = [{transform_indices = @transform_0, window_bounds = array<i64: 256, 128>}, {pipeline_mode = #tpu.pipeline_mode<synchronous>, transform_indices = @transform_1, window_bounds = array<i64: 128, 128>}, {transform_indices = @transform_2, window_bounds = array<i64: 256, 128>}, {transform_indices = @transform_3, window_bounds = array<i64: 256, 128>}, {transform_indices = @transform_4, window_bounds = array<i64: 256, 128>}]} {
    %get3A = arith.constant 0 : index
    %get3A_0 = arith.constant 0 : index
    %get3A_1 = vector.load %arg3[%get3A, %get3A_0] : memref<256x128xf32, #tpu.memory_space<vmem>>, vector<256x128xf32>
    %get3A_2 = arith.constant 0 : index
    %get3A_3 = arith.constant 0 : index
    %get3A_4 = vector.load %arg4[%get3A_2, %get3A_3] : memref<256x128xf32, #tpu.memory_space<vmem>>, vector<256x128xf32>
    %add3A = arith.constant 1.000000e+00 : f32
    %add3A_5 = vector.broadcast %add3A : f32 to vector<256x128xf32>
    %add3A_6 = arith.addf %add3A_5, %get3A_1 : vector<256x128xf32>
    %add3A_7 = arith.addf %add3A_6, %get3A_4 : vector<256x128xf32>
    %rsqrt3A = math.rsqrt %add3A_7 : vector<256x128xf32>
    %get3A_8 = arith.constant 0 : index
    %get3A_9 = arith.constant 0 : index
    %get3A_10 = vector.load %arg1[%get3A_8, %get3A_9] : memref<256x128xf32, #tpu.memory_space<vmem>>, vector<256x128xf32>
    %get3A_11 = arith.constant 0 : index
    %get3A_12 = arith.constant 0 : index
    %get3A_13 = vector.load %arg2[%get3A_11, %get3A_12] : memref<128x128xf32, #tpu.memory_space<vmem>>, vector<128x128xf32>
    %dot_general3A = arith.constant dense<0.000000e+00> : vector<256x128xf32>
    %dot_general3A_14 = tpu.matmul %get3A_10, %get3A_13, %dot_general3A {dimension_numbers = #tpu.dot_dimension_numbers<[1], [0], [0], [1], [0, 0, 1, 1], [], []>, transpose_lhs_hint = false} : vector<256x128xf32>, vector<128x128xf32>, vector<256x128xf32> -> vector<256x128xf32>
    %mul3A = arith.mulf %rsqrt3A, %dot_general3A_14 : vector<256x128xf32>
    %swap3A = arith.constant 0 : index
    %swap3A_15 = arith.constant 0 : index
    %swap3A_16 = vector.load %arg5[%swap3A, %swap3A_15] : memref<256x128xf32, #tpu.memory_space<vmem>>, vector<256x128xf32>
    tpu.vector_store %arg5[%swap3A, %swap3A_15], %mul3A {strides = array<i32>} : memref<256x128xf32, #tpu.memory_space<vmem>>, vector<256x128xf32>,
    return
  }
  func.func @transform_0(%arg0: i32) -> (i32, i32) {
    %c0_i32 = arith.constant 0 : i32
    %c0_i32_0 = arith.constant 0 : i32
    return %arg0, %c0_i32 : i32, i32
  }
  func.func @transform_1(%arg0: i32) -> (i32, i32) {
    %c0_i32 = arith.constant 0 : i32
    %c0_i32_0 = arith.constant 0 : i32
    %c0_i32_1 = arith.constant 0 : i32
    return %c0_i32, %c0_i32_0 : i32, i32
  }
  func.func @transform_2(%arg0: i32) -> (i32, i32) {
    %c0_i32 = arith.constant 0 : i32
    %c0_i32_0 = arith.constant 0 : i32
    return %arg0, %c0_i32 : i32, i32
  }
  func.func @transform_3(%arg0: i32) -> (i32, i32) {
    %c0_i32 = arith.constant 0 : i32
    %c0_i32_0 = arith.constant 0 : i32
    return %arg0, %c0_i32 : i32, i32
  }
  func.func @transform_4(%arg0: i32) -> (i32, i32) {
    %c0_i32 = arith.constant 0 : i32
    %c0_i32_0 = arith.constant 0 : i32
    return %arg0, %c0_i32 : i32, i32
  }
}

module attributes {stable_mosaic.version = 14 : i64} {
  func.func @_tc_mm2_body(%arg0: i32, %arg1: memref<256x128xf32, #tpu.memory_space<vmem>>, %arg2: memref<256x128xf32, #tpu.memory_space<vmem>>, %arg3: memref<256x128xf32, #tpu.memory_space<vmem>>, %arg4: memref<256x128xf32, #tpu.memory_space<vmem>>, %arg5: memref<256x128xf32, #tpu.memory_space<vmem>>, %arg6: memref<1x128xf32, #tpu.memory_space<vmem>>, %arg7: memref<128x128xf32, #tpu.memory_space<vmem>>, %arg8: memref<256x128xf32, #tpu.memory_space<vmem>>) attributes {dimension_semantics = [#tpu.dimension_semantics<arbitrary>], iteration_bounds = array<i64: 40>, scalar_prefetch = 0 : i64, scratch_operands = 0 : i64, tpu.core_type = #tpu.core_type<tc>, window_params = [{transform_indices = @transform_0, window_bounds = array<i64: 256, 128>}, {transform_indices = @transform_1, window_bounds = array<i64: 256, 128>}, {transform_indices = @transform_2, window_bounds = array<i64: 256, 128>}, {transform_indices = @transform_3, window_bounds = array<i64: 256, 128>}, {transform_indices = @transform_4, window_bounds = array<i64: 256, 128>}, {pipeline_mode = #tpu.pipeline_mode<synchronous>, transform_indices = @transform_5, window_bounds = array<i64: 1, 128>}, {pipeline_mode = #tpu.pipeline_mode<synchronous>, transform_indices = @transform_6, window_bounds = array<i64: 128, 128>}, {transform_indices = @transform_7, window_bounds = array<i64: 256, 128>}]} {
    %get3A = arith.constant 0 : index
    %get3A_0 = arith.constant 0 : index
    %get3A_1 = vector.load %arg4[%get3A, %get3A_0] : memref<256x128xf32, #tpu.memory_space<vmem>>, vector<256x128xf32>
    %get3A_2 = arith.constant 0 : index
    %get3A_3 = arith.constant 0 : index
    %get3A_4 = vector.load %arg5[%get3A_2, %get3A_3] : memref<256x128xf32, #tpu.memory_space<vmem>>, vector<256x128xf32>
    %add3A = arith.constant 1.000000e+00 : f32
    %add3A_5 = vector.broadcast %add3A : f32 to vector<256x128xf32>
    %add3A_6 = arith.addf %add3A_5, %get3A_1 : vector<256x128xf32>
    %add3A_7 = arith.addf %add3A_6, %get3A_4 : vector<256x128xf32>
    %rsqrt3A = math.rsqrt %add3A_7 : vector<256x128xf32>
    %get3A_8 = arith.constant 0 : index
    %get3A_9 = arith.constant 0 : index
    %get3A_10 = vector.load %arg1[%get3A_8, %get3A_9] : memref<256x128xf32, #tpu.memory_space<vmem>>, vector<256x128xf32>
    %get3A_11 = arith.constant 0 : index
    %get3A_12 = arith.constant 0 : index
    %get3A_13 = vector.load %arg2[%get3A_11, %get3A_12] : memref<256x128xf32, #tpu.memory_space<vmem>>, vector<256x128xf32>
    %add3A_14 = arith.addf %get3A_10, %get3A_13 : vector<256x128xf32>
    %get3A_15 = arith.constant 0 : index
    %get3A_16 = arith.constant 0 : index
    %get3A_17 = vector.load %arg3[%get3A_15, %get3A_16] : memref<256x128xf32, #tpu.memory_space<vmem>>, vector<256x128xf32>
    %add3A_18 = arith.addf %add3A_14, %get3A_17 : vector<256x128xf32>
    %mul3A = arith.mulf %rsqrt3A, %add3A_18 : vector<256x128xf32>
    %get3A_19 = arith.constant 0 : index
    %get3A_20 = arith.constant 0 : index
    %get3A_21 = vector.load %arg6[%get3A_19, %get3A_20] : memref<1x128xf32, #tpu.memory_space<vmem>>, vector<1x128xf32>
    %add3A_22 = vector.broadcast %get3A_21 : vector<1x128xf32> to vector<256x128xf32>
    %add3A_23 = arith.addf %mul3A, %add3A_22 : vector<256x128xf32>
    %max3A = arith.constant 0.000000e+00 : f32
    %max3A_24 = vector.broadcast %max3A : f32 to vector<256x128xf32>
    %max3A_25 = arith.maximumf %add3A_23, %max3A_24 : vector<256x128xf32>
    %get3A_26 = arith.constant 0 : index
    %get3A_27 = arith.constant 0 : index
    %get3A_28 = vector.load %arg7[%get3A_26, %get3A_27] : memref<128x128xf32, #tpu.memory_space<vmem>>, vector<128x128xf32>
    %dot_general3A = arith.constant dense<0.000000e+00> : vector<256x128xf32>
    %dot_general3A_29 = tpu.matmul %max3A_25, %get3A_28, %dot_general3A {dimension_numbers = #tpu.dot_dimension_numbers<[1], [0], [0], [1], [0, 0, 1, 1], [], []>, transpose_lhs_hint = false} : vector<256x128xf32>, vector<128x128xf32>, vector<256x128xf32> -> vector<256x128xf32>
    %mul3A_30 = arith.mulf %rsqrt3A, %dot_general3A_29 : vector<256x128xf32>
    %swap3A = arith.constant 0 : index
    %swap3A_31 = arith.constant 0 : index
    %swap3A_32 = vector.load %arg8[%swap3A, %swap3A_31] : memref<256x128xf32, #tpu.memory_space<vmem>>, vector<256x128xf32>
    tpu.vector_store %arg8[%swap3A, %swap3A_31], %mul3A_30 {strides = array<i32>} : memref<256x128xf32, #tpu.memory_space<vmem>>, vector<256x128xf32>,
    return
  }
  func.func @transform_0(%arg0: i32) -> (i32, i32) {
    %c0_i32 = arith.constant 0 : i32
    %c0_i32_0 = arith.constant 0 : i32
    return %arg0, %c0_i32 : i32, i32
  }
  func.func @transform_1(%arg0: i32) -> (i32, i32) {
    %c0_i32 = arith.constant 0 : i32
    %c0_i32_0 = arith.constant 0 : i32
    return %arg0, %c0_i32 : i32, i32
  }
  func.func @transform_2(%arg0: i32) -> (i32, i32) {
    %c0_i32 = arith.constant 0 : i32
    %c0_i32_0 = arith.constant 0 : i32
    return %arg0, %c0_i32 : i32, i32
  }
  func.func @transform_3(%arg0: i32) -> (i32, i32) {
    %c0_i32 = arith.constant 0 : i32
    %c0_i32_0 = arith.constant 0 : i32
    return %arg0, %c0_i32 : i32, i32
  }
  func.func @transform_4(%arg0: i32) -> (i32, i32) {
    %c0_i32 = arith.constant 0 : i32
    %c0_i32_0 = arith.constant 0 : i32
    return %arg0, %c0_i32 : i32, i32
  }
  func.func @transform_5(%arg0: i32) -> (i32, i32) {
    %c0_i32 = arith.constant 0 : i32
    %c0_i32_0 = arith.constant 0 : i32
    %c0_i32_1 = arith.constant 0 : i32
    return %c0_i32, %c0_i32_0 : i32, i32
  }
  func.func @transform_6(%arg0: i32) -> (i32, i32) {
    %c0_i32 = arith.constant 0 : i32
    %c0_i32_0 = arith.constant 0 : i32
    %c0_i32_1 = arith.constant 0 : i32
    return %c0_i32, %c0_i32_0 : i32, i32
  }
  func.func @transform_7(%arg0: i32) -> (i32, i32) {
    %c0_i32 = arith.constant 0 : i32
    %c0_i32_0 = arith.constant 0 : i32
    return %arg0, %c0_i32 : i32, i32
  }
}

module attributes {stable_mosaic.version = 14 : i64} {
  func.func @_tc_fin_body(%arg0: i32, %arg1: memref<256x128xf32, #tpu.memory_space<vmem>>, %arg2: memref<256x128xf32, #tpu.memory_space<vmem>>, %arg3: memref<256x128xf32, #tpu.memory_space<vmem>>, %arg4: memref<256x128xf32, #tpu.memory_space<vmem>>, %arg5: memref<256x128xf32, #tpu.memory_space<vmem>>, %arg6: memref<1x128xf32, #tpu.memory_space<vmem>>, %arg7: memref<256x128xf32, #tpu.memory_space<vmem>>) attributes {dimension_semantics = [#tpu.dimension_semantics<arbitrary>], iteration_bounds = array<i64: 40>, scalar_prefetch = 0 : i64, scratch_operands = 0 : i64, tpu.core_type = #tpu.core_type<tc>, window_params = [{transform_indices = @transform_0, window_bounds = array<i64: 256, 128>}, {transform_indices = @transform_1, window_bounds = array<i64: 256, 128>}, {transform_indices = @transform_2, window_bounds = array<i64: 256, 128>}, {transform_indices = @transform_3, window_bounds = array<i64: 256, 128>}, {transform_indices = @transform_4, window_bounds = array<i64: 256, 128>}, {pipeline_mode = #tpu.pipeline_mode<synchronous>, transform_indices = @transform_5, window_bounds = array<i64: 1, 128>}, {transform_indices = @transform_6, window_bounds = array<i64: 256, 128>}]} {
    %get3A = arith.constant 0 : index
    %get3A_0 = arith.constant 0 : index
    %get3A_1 = vector.load %arg4[%get3A, %get3A_0] : memref<256x128xf32, #tpu.memory_space<vmem>>, vector<256x128xf32>
    %get3A_2 = arith.constant 0 : index
    %get3A_3 = arith.constant 0 : index
    %get3A_4 = vector.load %arg5[%get3A_2, %get3A_3] : memref<256x128xf32, #tpu.memory_space<vmem>>, vector<256x128xf32>
    %add3A = arith.constant 1.000000e+00 : f32
    %add3A_5 = vector.broadcast %add3A : f32 to vector<256x128xf32>
    %add3A_6 = arith.addf %add3A_5, %get3A_1 : vector<256x128xf32>
    %add3A_7 = arith.addf %add3A_6, %get3A_4 : vector<256x128xf32>
    %rsqrt3A = math.rsqrt %add3A_7 : vector<256x128xf32>
    %get3A_8 = arith.constant 0 : index
    %get3A_9 = arith.constant 0 : index
    %get3A_10 = vector.load %arg1[%get3A_8, %get3A_9] : memref<256x128xf32, #tpu.memory_space<vmem>>, vector<256x128xf32>
    %get3A_11 = arith.constant 0 : index
    %get3A_12 = arith.constant 0 : index
    %get3A_13 = vector.load %arg2[%get3A_11, %get3A_12] : memref<256x128xf32, #tpu.memory_space<vmem>>, vector<256x128xf32>
    %add3A_14 = arith.addf %get3A_10, %get3A_13 : vector<256x128xf32>
    %get3A_15 = arith.constant 0 : index
    %get3A_16 = arith.constant 0 : index
    %get3A_17 = vector.load %arg3[%get3A_15, %get3A_16] : memref<256x128xf32, #tpu.memory_space<vmem>>, vector<256x128xf32>
    %add3A_18 = arith.addf %add3A_14, %get3A_17 : vector<256x128xf32>
    %mul3A = arith.mulf %rsqrt3A, %add3A_18 : vector<256x128xf32>
    %get3A_19 = arith.constant 0 : index
    %get3A_20 = arith.constant 0 : index
    %get3A_21 = vector.load %arg6[%get3A_19, %get3A_20] : memref<1x128xf32, #tpu.memory_space<vmem>>, vector<1x128xf32>
    %add3A_22 = vector.broadcast %get3A_21 : vector<1x128xf32> to vector<256x128xf32>
    %add3A_23 = arith.addf %mul3A, %add3A_22 : vector<256x128xf32>
    %swap3A = arith.constant 0 : index
    %swap3A_24 = arith.constant 0 : index
    %swap3A_25 = vector.load %arg7[%swap3A, %swap3A_24] : memref<256x128xf32, #tpu.memory_space<vmem>>, vector<256x128xf32>
    tpu.vector_store %arg7[%swap3A, %swap3A_24], %add3A_23 {strides = array<i32>} : memref<256x128xf32, #tpu.memory_space<vmem>>, vector<256x128xf32>,
    return
  }
  func.func @transform_0(%arg0: i32) -> (i32, i32) {
    %c0_i32 = arith.constant 0 : i32
    %c0_i32_0 = arith.constant 0 : i32
    return %arg0, %c0_i32 : i32, i32
  }
  func.func @transform_1(%arg0: i32) -> (i32, i32) {
    %c0_i32 = arith.constant 0 : i32
    %c0_i32_0 = arith.constant 0 : i32
    return %arg0, %c0_i32 : i32, i32
  }
  func.func @transform_2(%arg0: i32) -> (i32, i32) {
    %c0_i32 = arith.constant 0 : i32
    %c0_i32_0 = arith.constant 0 : i32
    return %arg0, %c0_i32 : i32, i32
  }
  func.func @transform_3(%arg0: i32) -> (i32, i32) {
    %c0_i32 = arith.constant 0 : i32
    %c0_i32_0 = arith.constant 0 : i32
    return %arg0, %c0_i32 : i32, i32
  }
  func.func @transform_4(%arg0: i32) -> (i32, i32) {
    %c0_i32 = arith.constant 0 : i32
    %c0_i32_0 = arith.constant 0 : i32
    return %arg0, %c0_i32 : i32, i32
  }
  func.func @transform_5(%arg0: i32) -> (i32, i32) {
    %c0_i32 = arith.constant 0 : i32
    %c0_i32_0 = arith.constant 0 : i32
    %c0_i32_1 = arith.constant 0 : i32
    return %c0_i32, %c0_i32_0 : i32, i32
  }
  func.func @transform_6(%arg0: i32) -> (i32, i32) {
    %c0_i32 = arith.constant 0 : i32
    %c0_i32_0 = arith.constant 0 : i32
    return %arg0, %c0_i32 : i32, i32
  }
}

</mosaic_0001>

<sc_bundles>
// kernel: kernel.12.cloned.1.call-start
scs
__scs_entry_jumppad:
0x0: {  	(pc) =	sbr.rel $0x88, $3  }
0x1: {  	(tag) =	ssettag $0x0;
	lr =	simm.s32 $0x1  }
0x2: {  	[smem:$0x3F9A] =	sst lr;
	_ =	strace $0xD0000000  }
0x3: {  	_ = 	snop  }
0x4: {  	_ = 	snop  }
0x5: {  	_ = 	snop  }
0x6: {  	_ = 	snop  }
0x7: {  	_ = 	snop  }
__scs_overlays_trampoline_lowered:
0x8: {  	[smem:$0x3FA9] =	sst s0  }
0x9: {  	[smem:$0x3FAA] =	sst s1  }
0xa: {  	[smem:$0x3FAB] =	sst s2  }
0xb: {  	[smem:$0x3FAC] =	sst s3  }
0xc: {  	[smem:$0x3FAD] =	sst s4  }
0xd: {  	[smem:$0x3FAE] =	sst s5  }
0xe: {  	[smem:$0x3FAF] =	sst s6  }
0xf: {  	[smem:$0x3FB0] =	sst s7  }
0x10: {  	[smem:$0x3FB1] =	sst s8  }
0x11: {  	[smem:$0x3FB2] =	sst s9;
	s0 =	simm.s32 @!p0 $0x0  }
0x12: {  	s1 =	sld [smem:$0x3F98];
	s0 =	simm.s32 @p0 $0x1  }
0x13: {  	[smem:$0x3FB3] =	sst s0;
	s0 =	simm.s32 @!p1 $0x0  }
0x14: {  	s2 =	sld [smem:$0x3F97];
	s0 =	simm.s32 @p1 $0x1  }
0x15: {  	[smem:$0x3FB4] =	sst s0;
	s0 =	simm.s32 @!p2 $0x0  }
0x16: {  	s3 =	sld [smem:$0x3FDB];
	s0 =	simm.s32 @p2 $0x1  }
0x17: {  	s4 =	simm.s32 $0x1BF5;
	[smem:$0x3FB6] =	sst s0  }
0x18: {  	s0 =	sld [smem:$0x3F99];
	_ =	swait.ge [sflag:s4], $0x0  }
0x19: {  	s7 =	sld [smem:$0x3F9A]  }
0x1a: {  	s8 =	sadd.s32 $0xFFFFE003, lr  }
0x1b: {  	s9 =	sadd.s32 $0xFFFFFEF7, lr;
	s5 =	simm.s32 $0xFFFFFFFF;
	p2 =	slt.u32 s8, $0xFFFFF086  }
0x1c: {  	p1 =	slt.u32 s9, $0xF7A;
	s5 =	simm.s32 @!p2 $0x0  }
0x1d: {  	s5 =	simm.s32 @p1 $0x1;
	p0 =	seq.s32 s7, s2  }
0x1e: {  	s7 =	smul.u32 @!p0 $0xF7A, s2;
	p2 =	seq.s32 @!p0 s5, $0x0  }
0x1f: {  	s9 =	smul.u32 $0xF7A, s1;
	s8 =	simm.s32 @!p0 $0x1BF5;
	p2 =	por !p2, p0  }
0x20: {  	[sflag:s8] =	ssyncset.s32 @!p0 $0xFFFFF086;
	s6 =	sadd.s32 @!p0 s3, s7;
	s7 =	simm.s32 @!p0 $0x108  }
0x21: {  	s3 =	sadd.s32 s3, s9;
	s6 =	sadd.s32 @!p0 $0x88, s6;
	s7 =	simm.s32 @p2 $0x1082  }
0x22: {  	[simem:s7], [sflag:s8] =	dma.local @!p0 [hbm:s6], $0xF7A  }
0x23: {  	s9 =	sor.u32 $0xD0000000, s2;
	s6 =	simm.s32 $0x108;
	_ =	swait.ge @!p0 [sflag:s8], $0x0  }
0x24: {  	s3 =	sadd.s32 $0x88, s3;
	s6 =	simm.s32 @!p1 $0x1082;
	[sflag:s4] =	ssyncset.s32 $0xFFFFF086  }
0x25: {  	[simem:s6], [sflag:s4] =	dma.local [hbm:s3], $0xF7A  }
0x26: {  	[smem:$0x3F9A] =	sst s1;
	(tag) =	ssettag s2;
	_ =	strace s9  }
0x27: {  	s1 =	sld [smem:$0x3FAA]  }
0x28: {  	s2 =	sld [smem:$0x3FAB]  }
0x29: {  	s4 =	sld [smem:$0x3FAD]  }
0x2a: {  	p0 =	seq.s32 s5, $0x0;
	s5 =	sld [smem:$0x3FAE]  }
0x2b: {  	s6 =	sld [smem:$0x3FAF]  }
0x2c: {  	s7 =	sld [smem:$0x3FB0]  }
0x2d: {  	s3 =	simm.s32 $0x108;
	s8 =	sld [smem:$0x3FB1]  }
0x2e: {  	s3 =	simm.s32 @!p0 $0x1082;
	s9 =	sld [smem:$0x3FB2]  }
0x2f: {  	lr =	sadd.s32 s0, s3;
	s0 =	sld [smem:$0x3FA9]  }
0x30: {  	s3 =	sld [smem:$0x3FAC]  }
0x31: {  	[smem:$0x3FB5] =	sst s10  }
0x32: {  	s10 =	sld [smem:$0x3FB3];
	_ =	sdelay $0x3  }
0x33: {  	p0 =	seq.s32 s10, $0x1;
	s10 =	sld [smem:$0x3FB5];
	_ =	sdelay $0x3  }
0x34: {  	[smem:$0x3FB5] =	sst s10  }
0x35: {  	s10 =	sld [smem:$0x3FB4];
	_ =	sdelay $0x3  }
0x36: {  	p1 =	seq.s32 s10, $0x1;
	s10 =	sld [smem:$0x3FB5];
	_ =	sdelay $0x3  }
0x37: {  	[smem:$0x3FB5] =	sst s10  }
0x38: {  	s10 =	sld [smem:$0x3FB6]  }
0x39: {  	_ = 	snop;
	(pc) =	sbr.ind lr, $3  }
0x3a: {  	_ = 	snop  }
0x3b: {  	_ = 	snop  }
0x3c: {  	p2 =	seq.s32 s10, $0x1;
	s10 =	sld [smem:$0x3FB5]  }
0x3d: {  	_ =	shalt  }
0x3e: {  	_ =	shalt  }
0x3f: {  	_ =	shalt  }
0x40: {  	_ =	shalt  }
0x41: {  	_ =	shalt  }
0x42: {  	_ =	shalt  }
0x43: {  	_ =	shalt  }
0x44: {  	_ =	shalt  }
0x45: {  	_ =	shalt  }
0x46: {  	_ =	shalt  }
0x47: {  	_ =	shalt  }
0x48: {  	_ =	shalt  }
0x49: {  	_ =	shalt  }
0x4a: {  	_ =	shalt  }
0x4b: {  	_ =	shalt  }
0x4c: {  	_ =	shalt  }
0x4d: {  	_ =	shalt  }
0x4e: {  	_ =	shalt  }
0x4f: {  	_ =	shalt  }
0x50: {  	_ =	shalt  }
0x51: {  	_ =	shalt  }
0x52: {  	_ =	shalt  }
0x53: {  	_ =	shalt  }
0x54: {  	_ =	shalt  }
0x55: {  	_ =	shalt  }
0x56: {  	_ =	shalt  }
0x57: {  	_ =	shalt  }
0x58: {  	_ =	shalt  }
0x59: {  	_ =	shalt  }
0x5a: {  	_ =	shalt  }
0x5b: {  	_ =	shalt  }
0x5c: {  	_ =	shalt  }
0x5d: {  	_ =	shalt  }
0x5e: {  	_ =	shalt  }
0x5f: {  	_ =	shalt  }
0x60: {  	_ =	shalt  }
0x61: {  	_ =	shalt  }
0x62: {  	_ =	shalt  }
0x63: {  	_ =	shalt  }
0x64: {  	_ =	shalt  }
0x65: {  	_ =	shalt  }
0x66: {  	_ =	shalt  }
0x67: {  	_ =	shalt  }
0x68: {  	_ =	shalt  }
0x69: {  	_ =	shalt  }
0x6a: {  	_ =	shalt  }
0x6b: {  	_ =	shalt  }
0x6c: {  	_ =	shalt  }
0x6d: {  	_ =	shalt  }
0x6e: {  	_ =	shalt  }
0x6f: {  	_ =	shalt  }
0x70: {  	_ =	shalt  }
0x71: {  	_ =	shalt  }
0x72: {  	_ =	shalt  }
0x73: {  	_ =	shalt  }
0x74: {  	_ =	shalt  }
0x75: {  	_ =	shalt  }
0x76: {  	_ =	shalt  }
0x77: {  	_ =	shalt  }
0x78: {  	_ =	shalt  }
0x79: {  	_ =	shalt  }
0x7a: {  	_ =	shalt  }
0x7b: {  	_ =	shalt  }
0x7c: {  	_ =	shalt  }
0x7d: {  	_ =	shalt  }
0x7e: {  	_ =	shalt  }
0x7f: {  	_ =	shalt  }
0x80: {  	_ =	shalt  }
0x81: {  	_ =	shalt  }
0x82: {  	_ =	shalt  }
0x83: {  	_ =	shalt  }
0x84: {  	_ =	shalt  }
0x85: {  	_ =	shalt  }
0x86: {  	_ =	shalt  }
0x87: {  	_ =	shalt  }
.Lfunc_end0:
.L_simem_size_0:
called_computation.1_lowered:
.L_overlay_start_0:
0x88: {  	s2 =	sld [smem:$0x3FD9]  }
0x89: {  	s3 =	sld [smem:$0x3FFE];
	_ =	sdelay $0x1  }
0x8a: {  	s1 =	srdreg.scid  }
0x8b: {  	s0 =	sand.u32 $0x1, s1  }
0x8c: {  	s17 =	sshll.u32 s0, $0xA;
	s2 =	sadd.s32 s3, s2  }
0x8d: {  	s2 =	sadd.s32 s2, s17  }
0x8e: {  	[smem:$0x3FC1] =	sst s2  }
0x8f: {  	_ = 	snop  }
0x90: {  	s2 =	sld [smem:$0x3FD0];
	(tm) =	ssettm $0x1  }
0x91: {  	s18 =	sld [smem:$0x3FFB];
	_ =	sdelay $0x3  }
0x92: {  	_ =	strace s18  }
0x93: {  	s3 =	sld [smem:$0x3FFC];
	_ =	sdelay $0x3  }
0x94: {  	_ =	strace s3  }
0x95: {  	s3 =	sld [smem:$0x3FFD];
	_ =	sdelay $0x3  }
0x96: {  	_ =	strace s3  }
0x97: {  	_ =	strace $0x8FFFFFFF  }
0x98: {  	s19 =	sld [smem:$0x3FDB];
	_ =	sdelay $0x1  }
0x99: {  	s4 =	simm.s32 $_scs_section_size  }
0x9a: {  	s5 =	simm.s32 $_size__tile_overlayer_lowered;
	s6 =	simm.s32 $_tile_overlayer_lowered  }
0x9b: {  	s22 =	simm.s32 $0x1BFF;
	s21 =	sshll.u32 s6, $0x1;
	s3 =	sadd.s32 s4, s19  }
0x9c: {  	s7 =	simm.s32 $0x0;
	s20 =	sshll.u32 s5, $0x1;
	s5 =	sadd.s32 s21, s3  }
0x9d: {  	[timem:s7], [sflag:s22] =	dma.local [hbm:s5], s20  }
0x9e: {  	_ =	swait.ge [sflag:s22], s20  }
0x9f: {  	s4 =	ssub.s32 $0x0, s20;
	[sflag:s22] =	ssyncset.done $0x0  }
0xa0: {  	[sflag:s22] =	ssyncadd.s32 s4;
	_ =	sdelay $0x1  }
0xa1: {  	s23 =	simm.s32 $0x1B8B  }
0xa2: {  	_ =	swait.ge [sflag:s23], $0x1  }
0xa3: {  	[sflag:s23] =	ssyncset.done $0x0  }
0xa4: {  	s25 =	simm.s32 $0x1B8E;
	s24 =	sld [smem:$0x3FFE];
	[sflag:s23] =	ssyncadd.s32 $0xFFFFFFFF  }
0xa5: {  	s26 =	simm.s32 $execute0_lowered;
	[smem:$0x3FD2] =	sst s25  }
0xa6: {  	s5 =	sshll.u32 s26, $0x1;
	_ =	strace $0x80000049;
	[dreg:$0x1] =	wrdreg $0xFFFFFFFF  }
0xa7: {  	s28 =	simm.s32 $_size_execute0_lowered;
	s3 =	sadd.s32 s3, s5;
	[dreg:$0x0] =	wrdreg $0x0  }
0xa8: {  	s5 =	sshll.u32 s28, $0x1;
	[dreg:$0x2] =	wrdreg s3  }
0xa9: {  	[dreg:$0x3] =	wrdreg s5  }
0xaa: {  	[dreg:$0x4] =	wrdreg $0xC0  }
0xab: {  	_ =	task [dreg:s7], $0x5FFFF  }
0xac: {  	[dreg:$0x1] =	wrdreg $0xFFFFFFFF  }
0xad: {  	[dreg:$0x0] =	wrdreg $0x60  }
0xae: {  	[dreg:$0x2] =	wrdreg s24  }
0xaf: {  	[dreg:$0x3] =	wrdreg s2  }
0xb0: {  	[dreg:$0x4] =	wrdreg $0xA0000  }
0xb1: {  	[dreg:$0x5] =	wrdreg $0x9  }
0xb2: {  	_ =	task.clear_ibuf [dreg:s7], $0x6FFFF;
	_ =	strace $0x90000049  }
0xb3: {  	s29 =	simm.s32 $0x9;
	_ =	strace $0x8000004B  }
0xb4: {  	_ =	swait.ge [sflag:s29], $0x1  }
0xb5: {  	[sflag:s29] =	ssyncadd.s32 $0xFFFFFFFF  }
0xb6: {  	_ =	strace $0x9000004B  }
0xb7: {  	_ =	sfence  }
0xb8: {  	s30 =	sld [smem:$0x0];
	_ =	sdelay $0x2  }
0xb9: {  	s31 =	sshll.u32 s1, $0xD;
	s1 =	sshrl.u32 s1, $0x2  }
0xba: {  	s3 =	sand.u32 $0x4000, s31;
	s1 =	sadd.s32 s1, s30  }
0xbb: {  	s0 =	sor.u32 s3, s0;
	s1 =	sshll.u32 s1, $0x11  }
0xbc: {  	s0 =	sor.u32 s1, s0  }
0xbd: {  	s0 =	sadd.s32 $0x8F2B, s0  }
0xbe: {  	[sflag:s0] =	ssyncadd.remote.s32 $0x1  }
0xbf: {  	_ =	sfence.sel $0xFFFF  }
0xc0: {  	[dreg:$0x0] =	wrdreg $0xFFFFFFFF;
	(pc) =	sbr.abs _section_cstart, $3  }
0xc1: {  	[dreg:$0x1] =	wrdreg $0xFFFFFFFF  }
0xc2: {  	_ =	task.clear_ibuf [dreg:s7], $0x2FFFF;
	_ =	strace $0x9FFFFFFF  }
0xc3: {  	(tm) =	ssettm $0x7FFFFFFF  }
tec
execute0_lowered:
.L_overlay_start_1:
0x0: {  	(tag) =	ssettag $0x1  }
0x1: {  	s6 =	rddreg [dreg:$0x0]  }
0x2: {  	s2 =	rddreg [dreg:$0x1];
	s0 =	stileid.u32  }
0x3: {  	s1 =	srdreg.scid;
	s3 =	rddreg [dreg:$0x2];
	s4 =	simm.s32 $0x0  }
0x4: {  	s17 =	simm.s32 $0x6000;
	s18 =	simm.s32 $0x1;
	s7 =	smul.u32 $0x600, s0  }
0x5: {  	s8 =	sand.u32 $0x1, s1;
	s1 =	rddreg [dreg:$0x3];
	s10 =	smul.u32 $0x14000, s0  }
0x6: {  	[smem:$0x7FF] =	sst s4;
	s5 =	sadd.s32 $0x71800, s6;
	s12 =	smul.u32 $0x50000, s0  }
0x7: {  	s26 =	sshll.u32 s0, $0xA;
	s31 =	sshll.u32 s0, $0x6;
	s9 =	smul.u32 $0x140000, s8  }
0x8: {  	_ =	strace $0x8000004A;
	s28 =	ssub.s32 $0x2, s8;
	s13 =	sadd.s32 s26, s6  }
0x9: {  	p0 =	seq.s32 s8, $0x1;
	s11 =	sadd.s32 s7, s6;
	s29 =	sshrl.u32 s28, $0x1  }
0xa: {  	s30 =	sshrl.u32 s12, $0x2;
	s9 =	sadd.s32 s10, s9;
	s15 =	ssub.s32 s28, s29  }
.Ltmp0:
0xb: {  	s16 =	sadd.s32 s30, s3;
	s7 =	sadd.s32 $0x67800, s11;
	(pc) =	sbr.rel .LBB2_1-.Ltmp0, $4  }
0xc: {  	s8 =	sadd.s32 $0x5D800, s11;
	s10 =	sadd.s32 $0x63800, s13;
	s9 =	sshrl.u32 s9, $0x3  }
0xd: {  	s12 =	smax.u32 s15, $0x1;
	s15 =	simm.s32 $0x3000;
	s14 =	sadd.s32 s9, s6  }
0xe: {  	s6 =	sor.u32 $0x1C02, s31;
	s9 =	sadd.s32 $0x6D800, s13;
	s13 =	sshrl.u32 s16, $0x3  }
0xf: {  	s16 =	simm.s32 $0x80;
	s11 =	sadd.s32 $0x99800, s14;
	s14 =	simm.s32 $0x2  }
.LBB2_7:
0x10: {  	s19 =	sshra.s32 s19, $0x2;
	[sflag:s14] =	ssyncadd.s32 $0xFFFFC000  }
0x11: {  	[tilespmem:s17], [sflag:$0x1] =	stream.indirect.gather [hbm4b:s5+s16], $0x80, s19, s16, $0xb8;
	[tilespmem:$0x1E000] =	vst v63  }
0x12: {  	_ =	swait.ge [sflag:s18], $0x4000  }
0x13: {  	[sflag:s18] =	ssyncset.done $0x0  }
0x14: {  	s19 =	sadd.s32 $0x3000, s19;
	[sflag:s18] =	ssyncadd.s32 $0xFFFFC000  }
0x15: {  	[spmem:s3] =	stream.indirect.scatter.add.f32 [tilespmem:s17], [sflag:$0x2], $0x80, s19, s16, $0xb8;
	[tilespmem:$0x1E000] =	vst v63  }
0x16: {  	_ =	swait.ge [sflag:s14], $0x4000  }
0x17: {  	[sflag:s14] =	ssyncset.done $0x0  }
0x18: {  	[sflag:s14] =	ssyncadd.s32 $0xFFFFC000  }
.LBB2_8:
0x19: {  	s4 =	sadd.s32 $0x1, s4  }
0x1a: {  	p1 =	sne.s32 s4, s12  }
.Ltmp1:
0x1b: {  	[bflag:$0x0] =	sbarrier.arrive $0xFFFF;
	(pc) =	sbr.rel @!p1 .LBB2_9-.Ltmp1, $4  }
0x1c: {  	[hbm:s11], [sflag:s6] =	dma.local [spmem:s13], $0x2800  }
0x1d: {  	_ =	swait.ge [sflag:s14], $0x2800  }
0x1e: {  	[sflag:s14] =	ssyncset.done $0x0  }
0x1f: {  	[sflag:s14] =	ssyncadd.s32 $0xFFFFD800  }
.LBB2_1:
.Ltmp2:
0x20: {  	(pc) =	sbr.rel @!p0 .LBB2_2-.Ltmp2, $4  }
0x21: {  	[spmem:s13], [sflag:s6] =	dma.local [hbm:s2], $0x2800  }
0x22: {  	_ =	swait.ge [sflag:s14], $0x2800  }
0x23: {  	[sflag:s14] =	ssyncset.done $0x0  }
0x24: {  	s19 =	simm.s32 $0x0;
	[sflag:s14] =	ssyncadd.s32 $0xFFFFD800  }
0x25: {  	[tilespmem:s19], [sflag:$0x2] =	stream.linear.gather [hbm4b:s9+s19], $0x1F80, $0x38;
	[tilespmem:$0x1E000] =	vst v63  }
0x26: {  	_ =	swait.ge [sflag:s14], $0x1F80  }
0x27: {  	[sflag:s14] =	ssyncset.done $0x0  }
0x28: {  	[sflag:s14] =	ssyncadd.s32 $0xFFFFE080  }
0x29: {  	[tilespmem:s15], [sflag:$0x2] =	stream.linear.gather [hbm4b:s10+s19], $0x1F80, $0x38;
	[tilespmem:$0x1E000] =	vst v63  }
0x2a: {  	_ =	swait.ge [sflag:s14], $0x1F80  }
0x2b: {  	[sflag:s14] =	ssyncset.done $0x0  }
0x2c: {  	[sflag:s14] =	ssyncadd.s32 $0xFFFFE080  }
0x2d: {  	s30 =	simm.s32 $0x0;
	[bflag:$0x0] =	sbarrier.arrive $0xFFFF  }
0x2e: {  	[tilespmem:s17], [sflag:$0x1] =	stream.indirect.gather [hbm4b:s5+s16], $0x80, s30, s16, $0xb8;
	[tilespmem:$0x1E000] =	vst v63  }
0x2f: {  	_ =	swait.ge [sflag:s18], $0x4000  }
0x30: {  	[sflag:s18] =	ssyncset.done $0x0  }
0x31: {  	s31 =	simm.s32 $0x3000;
	[sflag:s18] =	ssyncadd.s32 $0xFFFFC000  }
0x32: {  	[spmem:s3] =	stream.indirect.scatter.add.f32 [tilespmem:s17], [sflag:$0x2], $0x80, s31, s16, $0xb8;
	[tilespmem:$0x1E000] =	vst v63  }
0x33: {  	_ =	swait.ge [sflag:s14], $0x4000  }
0x34: {  	s20 =	simm.s32 $0x400;
	s19 =	simm.s32 $0x200;
	[sflag:s14] =	ssyncset.done $0x0  }
.LBB2_6:
0x35: {  	s21 =	sshra.s32 s19, $0x2  }
0x36: {  	[sflag:s14] =	ssyncadd.s32 $0xFFFFC000;
	s19 =	smov.u32 s20;
	s22 =	sadd.s32 $0x200, s20  }
0x37: {  	[tilespmem:s17], [sflag:$0x1] =	stream.indirect.gather [hbm4b:s5+s16], $0x80, s21, s16, $0xb8;
	[tilespmem:$0x1E000] =	vst v63  }
0x38: {  	p1 =	sne.s32 s20, $0x7C00;
	_ =	swait.ge [sflag:s18], $0x4000  }
.Ltmp3:
0x39: {  	[sflag:s18] =	ssyncset.done $0x0;
	(pc) =	sbr.rel @p1 .LBB2_6-.Ltmp3, $4  }
0x3a: {  	s20 =	sadd.s32 $0x3000, s21;
	[sflag:s18] =	ssyncadd.s32 $0xFFFFC000  }
0x3b: {  	[spmem:s3] =	stream.indirect.scatter.add.f32 [tilespmem:s17], [sflag:$0x2], $0x80, s20, s16, $0xb8;
	[tilespmem:$0x1E000] =	vst v63  }
0x3c: {  	_ =	swait.ge [sflag:s14], $0x4000  }
0x3d: {  	s20 =	smov.u32 s22;
	[sflag:s14] =	ssyncset.done $0x0  }
.Ltmp4:
0x3e: {  	_ = 	snop;
	(pc) =	sbr.rel .LBB2_7-.Ltmp4, $1  }
0x3f: {  	_ =	sdelay $0x3  }
.LBB2_2:
0x40: {  	[tilespmem:s19], [sflag:$0x2] =	stream.linear.gather [hbm4b:s7+s19], $0x2F80, $0x38;
	[tilespmem:$0x1E000] =	vst v63  }
0x41: {  	_ =	swait.ge [sflag:s14], $0x2F80  }
0x42: {  	[sflag:s14] =	ssyncset.done $0x0  }
0x43: {  	[sflag:s14] =	ssyncadd.s32 $0xFFFFD080  }
0x44: {  	[tilespmem:s15], [sflag:$0x2] =	stream.linear.gather [hbm4b:s8+s19], $0x2F80, $0x38;
	[tilespmem:$0x1E000] =	vst v63  }
0x45: {  	_ =	swait.ge [sflag:s14], $0x2F80  }
0x46: {  	[sflag:s14] =	ssyncset.done $0x0  }
0x47: {  	[sflag:s14] =	ssyncadd.s32 $0xFFFFD080  }
0x48: {  	s30 =	simm.s32 $0x0;
	[bflag:$0x0] =	sbarrier.arrive $0xFFFF  }
0x49: {  	[tilespmem:s17], [sflag:$0x1] =	stream.indirect.gather [hbm4b:s5+s16], $0x80, s30, s16, $0xb8;
	[tilespmem:$0x1E000] =	vst v63  }
0x4a: {  	_ =	swait.ge [sflag:s18], $0x4000  }
0x4b: {  	[sflag:s18] =	ssyncset.done $0x0  }
0x4c: {  	s31 =	simm.s32 $0x3000;
	[sflag:s18] =	ssyncadd.s32 $0xFFFFC000  }
0x4d: {  	[spmem:s3] =	stream.indirect.scatter.add.f32 [tilespmem:s17], [sflag:$0x2], $0x80, s31, s16, $0xb8;
	[tilespmem:$0x1E000] =	vst v63  }
0x4e: {  	_ =	swait.ge [sflag:s14], $0x4000  }
0x4f: {  	s20 =	simm.s32 $0x400;
	s19 =	simm.s32 $0x200;
	[sflag:s14] =	ssyncset.done $0x0  }
.LBB2_3:
0x50: {  	s21 =	sshra.s32 s19, $0x2  }
0x51: {  	[sflag:s14] =	ssyncadd.s32 $0xFFFFC000;
	s19 =	smov.u32 s20;
	s22 =	sadd.s32 $0x200, s20  }
0x52: {  	[tilespmem:s17], [sflag:$0x1] =	stream.indirect.gather [hbm4b:s5+s16], $0x80, s21, s16, $0xb8;
	[tilespmem:$0x1E000] =	vst v63  }
0x53: {  	p1 =	seq.s32 s20, $0xBC00;
	_ =	swait.ge [sflag:s18], $0x4000  }
.Ltmp5:
0x54: {  	[sflag:s18] =	ssyncset.done $0x0;
	(pc) =	sbr.rel @!p1 .LBB2_3-.Ltmp5, $4  }
0x55: {  	s20 =	sadd.s32 $0x3000, s21;
	[sflag:s18] =	ssyncadd.s32 $0xFFFFC000  }
0x56: {  	[spmem:s3] =	stream.indirect.scatter.add.f32 [tilespmem:s17], [sflag:$0x2], $0x80, s20, s16, $0xb8;
	[tilespmem:$0x1E000] =	vst v63  }
0x57: {  	_ =	swait.ge [sflag:s14], $0x4000  }
0x58: {  	s20 =	smov.u32 s22;
	[sflag:s14] =	ssyncset.done $0x0  }
0x59: {  	s19 =	sshra.s32 s19, $0x2;
	[sflag:s14] =	ssyncadd.s32 $0xFFFFC000  }
0x5a: {  	[tilespmem:s17], [sflag:$0x1] =	stream.indirect.gather [hbm4b:s5+s16], $0x80, s19, s16, $0xb8;
	[tilespmem:$0x1E000] =	vst v63  }
0x5b: {  	_ =	swait.ge [sflag:s18], $0x4000  }
0x5c: {  	[sflag:s18] =	ssyncset.done $0x0  }
.Ltmp6:
0x5d: {  	s19 =	sadd.s32 $0x3000, s19;
	[sflag:s18] =	ssyncadd.s32 $0xFFFFC000;
	(pc) =	sbr.rel .LBB2_8-.Ltmp6, $4  }
0x5e: {  	[spmem:s3] =	stream.indirect.scatter.add.f32 [tilespmem:s17], [sflag:$0x2], $0x80, s19, s16, $0xb8;
	[tilespmem:$0x1E000] =	vst v63  }
0x5f: {  	_ =	swait.ge [sflag:s14], $0x4000  }
0x60: {  	[sflag:s14] =	ssyncset.done $0x0  }
0x61: {  	[sflag:s14] =	ssyncadd.s32 $0xFFFFC000  }
.LBB2_9:
0x62: {  	_ =	sfence.sel $0x180000  }
0x63: {  	[bflag:$0x0] =	sbarrier.arrive $0xFFFF  }
0x64: {  	p0 =	sne.s32 s0, $0x0;
	_ =	strace $0x9000004A  }
0x65: {  	s0 =	sadd.s32 @!p0 $0x100000, s1;
	[bflag:$0x2] =	sbarrier.arrive $0xFFFF  }
0x66: {  	[sflag:s0] =	ssyncadd.tile.s32 @!p0 $0x1;
	_ =	shalt  }
.Lfunc_end2:
_tile_overlayer_lowered:
.L_overlay_start_2:
0x67: {  	(tag) =	ssettag $0x2  }
0x68: {  	s0 =	rddreg [dreg:$0x0];
	s2 =	stileid.u32  }
0x69: {  	s1 =	rddreg [dreg:$0x1];
	p0 =	sne.s32 s2, $0x0  }
0x6a: {  	s3 =	rddreg [dreg:$0x2];
	[bflag:$0x3] =	sbarrier.arrive $0xFFFF;
	s2 =	simm.s32 @!p0 $0x1C02  }
0x6b: {  	[timem:s3], [sflag:s2] =	dma.local @!p0 [hbm:s0], s1  }
0x6c: {  	s0 =	simm.s32 @!p0 $0x2  }
0x6d: {  	_ =	swait.ge @!p0 [sflag:s0], s1  }
0x6e: {  	s1 =	ssub.s32 @!p0 $0x0, s1;
	[sflag:s0] =	ssyncset.done @!p0 $0x0  }
0x6f: {  	[sflag:s0] =	ssyncadd.s32 @!p0 s1  }
0x70: {  	[bflag:$0x3] =	sbarrier.arrive $0xFFFF  }
0x71: {  	_ =	shalt  }

// kernel: kernel.15.cloned.1.call-start
scs
__scs_entry_jumppad:
0x0: {  	(pc) =	sbr.rel $0x88, $3  }
0x1: {  	(tag) =	ssettag $0x0;
	lr =	simm.s32 $0x1  }
0x2: {  	[smem:$0x3F9A] =	sst lr;
	_ =	strace $0xD0000000  }
0x3: {  	_ = 	snop  }
0x4: {  	_ = 	snop  }
0x5: {  	_ = 	snop  }
0x6: {  	_ = 	snop  }
0x7: {  	_ = 	snop  }
__scs_overlays_trampoline_lowered:
0x8: {  	[smem:$0x3FA9] =	sst s0  }
0x9: {  	[smem:$0x3FAA] =	sst s1  }
0xa: {  	[smem:$0x3FAB] =	sst s2  }
0xb: {  	[smem:$0x3FAC] =	sst s3  }
0xc: {  	[smem:$0x3FAD] =	sst s4  }
0xd: {  	[smem:$0x3FAE] =	sst s5  }
0xe: {  	[smem:$0x3FAF] =	sst s6  }
0xf: {  	[smem:$0x3FB0] =	sst s7  }
0x10: {  	[smem:$0x3FB1] =	sst s8  }
0x11: {  	[smem:$0x3FB2] =	sst s9;
	s0 =	simm.s32 @!p0 $0x0  }
0x12: {  	s1 =	sld [smem:$0x3F98];
	s0 =	simm.s32 @p0 $0x1  }
0x13: {  	[smem:$0x3FB3] =	sst s0;
	s0 =	simm.s32 @!p1 $0x0  }
0x14: {  	s2 =	sld [smem:$0x3F97];
	s0 =	simm.s32 @p1 $0x1  }
0x15: {  	[smem:$0x3FB4] =	sst s0;
	s0 =	simm.s32 @!p2 $0x0  }
0x16: {  	s3 =	sld [smem:$0x3FDB];
	s0 =	simm.s32 @p2 $0x1  }
0x17: {  	s4 =	simm.s32 $0x1BF5;
	[smem:$0x3FB6] =	sst s0  }
0x18: {  	s0 =	sld [smem:$0x3F99];
	_ =	swait.ge [sflag:s4], $0x0  }
0x19: {  	s7 =	sld [smem:$0x3F9A]  }
0x1a: {  	s8 =	sadd.s32 $0xFFFFE003, lr  }
0x1b: {  	s9 =	sadd.s32 $0xFFFFFEF7, lr;
	s5 =	simm.s32 $0xFFFFFFFF;
	p2 =	slt.u32 s8, $0xFFFFF086  }
0x1c: {  	p1 =	slt.u32 s9, $0xF7A;
	s5 =	simm.s32 @!p2 $0x0  }
0x1d: {  	s5 =	simm.s32 @p1 $0x1;
	p0 =	seq.s32 s7, s2  }
0x1e: {  	s7 =	smul.u32 @!p0 $0xF7A, s2;
	p2 =	seq.s32 @!p0 s5, $0x0  }
0x1f: {  	s9 =	smul.u32 $0xF7A, s1;
	s8 =	simm.s32 @!p0 $0x1BF5;
	p2 =	por !p2, p0  }
0x20: {  	[sflag:s8] =	ssyncset.s32 @!p0 $0xFFFFF086;
	s6 =	sadd.s32 @!p0 s3, s7;
	s7 =	simm.s32 @!p0 $0x108  }
0x21: {  	s3 =	sadd.s32 s3, s9;
	s6 =	sadd.s32 @!p0 $0x88, s6;
	s7 =	simm.s32 @p2 $0x1082  }
0x22: {  	[simem:s7], [sflag:s8] =	dma.local @!p0 [hbm:s6], $0xF7A  }
0x23: {  	s9 =	sor.u32 $0xD0000000, s2;
	s6 =	simm.s32 $0x108;
	_ =	swait.ge @!p0 [sflag:s8], $0x0  }
0x24: {  	s3 =	sadd.s32 $0x88, s3;
	s6 =	simm.s32 @!p1 $0x1082;
	[sflag:s4] =	ssyncset.s32 $0xFFFFF086  }
0x25: {  	[simem:s6], [sflag:s4] =	dma.local [hbm:s3], $0xF7A  }
0x26: {  	[smem:$0x3F9A] =	sst s1;
	(tag) =	ssettag s2;
	_ =	strace s9  }
0x27: {  	s1 =	sld [smem:$0x3FAA]  }
0x28: {  	s2 =	sld [smem:$0x3FAB]  }
0x29: {  	s4 =	sld [smem:$0x3FAD]  }
0x2a: {  	p0 =	seq.s32 s5, $0x0;
	s5 =	sld [smem:$0x3FAE]  }
0x2b: {  	s6 =	sld [smem:$0x3FAF]  }
0x2c: {  	s7 =	sld [smem:$0x3FB0]  }
0x2d: {  	s3 =	simm.s32 $0x108;
	s8 =	sld [smem:$0x3FB1]  }
0x2e: {  	s3 =	simm.s32 @!p0 $0x1082;
	s9 =	sld [smem:$0x3FB2]  }
0x2f: {  	lr =	sadd.s32 s0, s3;
	s0 =	sld [smem:$0x3FA9]  }
0x30: {  	s3 =	sld [smem:$0x3FAC]  }
0x31: {  	[smem:$0x3FB5] =	sst s10  }
0x32: {  	s10 =	sld [smem:$0x3FB3];
	_ =	sdelay $0x3  }
0x33: {  	p0 =	seq.s32 s10, $0x1;
	s10 =	sld [smem:$0x3FB5];
	_ =	sdelay $0x3  }
0x34: {  	[smem:$0x3FB5] =	sst s10  }
0x35: {  	s10 =	sld [smem:$0x3FB4];
	_ =	sdelay $0x3  }
0x36: {  	p1 =	seq.s32 s10, $0x1;
	s10 =	sld [smem:$0x3FB5];
	_ =	sdelay $0x3  }
0x37: {  	[smem:$0x3FB5] =	sst s10  }
0x38: {  	s10 =	sld [smem:$0x3FB6]  }
0x39: {  	_ = 	snop;
	(pc) =	sbr.ind lr, $3  }
0x3a: {  	_ = 	snop  }
0x3b: {  	_ = 	snop  }
0x3c: {  	p2 =	seq.s32 s10, $0x1;
	s10 =	sld [smem:$0x3FB5]  }
0x3d: {  	_ =	shalt  }
0x3e: {  	_ =	shalt  }
0x3f: {  	_ =	shalt  }
0x40: {  	_ =	shalt  }
0x41: {  	_ =	shalt  }
0x42: {  	_ =	shalt  }
0x43: {  	_ =	shalt  }
0x44: {  	_ =	shalt  }
0x45: {  	_ =	shalt  }
0x46: {  	_ =	shalt  }
0x47: {  	_ =	shalt  }
0x48: {  	_ =	shalt  }
0x49: {  	_ =	shalt  }
0x4a: {  	_ =	shalt  }
0x4b: {  	_ =	shalt  }
0x4c: {  	_ =	shalt  }
0x4d: {  	_ =	shalt  }
0x4e: {  	_ =	shalt  }
0x4f: {  	_ =	shalt  }
0x50: {  	_ =	shalt  }
0x51: {  	_ =	shalt  }
0x52: {  	_ =	shalt  }
0x53: {  	_ =	shalt  }
0x54: {  	_ =	shalt  }
0x55: {  	_ =	shalt  }
0x56: {  	_ =	shalt  }
0x57: {  	_ =	shalt  }
0x58: {  	_ =	shalt  }
0x59: {  	_ =	shalt  }
0x5a: {  	_ =	shalt  }
0x5b: {  	_ =	shalt  }
0x5c: {  	_ =	shalt  }
0x5d: {  	_ =	shalt  }
0x5e: {  	_ =	shalt  }
0x5f: {  	_ =	shalt  }
0x60: {  	_ =	shalt  }
0x61: {  	_ =	shalt  }
0x62: {  	_ =	shalt  }
0x63: {  	_ =	shalt  }
0x64: {  	_ =	shalt  }
0x65: {  	_ =	shalt  }
0x66: {  	_ =	shalt  }
0x67: {  	_ =	shalt  }
0x68: {  	_ =	shalt  }
0x69: {  	_ =	shalt  }
0x6a: {  	_ =	shalt  }
0x6b: {  	_ =	shalt  }
0x6c: {  	_ =	shalt  }
0x6d: {  	_ =	shalt  }
0x6e: {  	_ =	shalt  }
0x6f: {  	_ =	shalt  }
0x70: {  	_ =	shalt  }
0x71: {  	_ =	shalt  }
0x72: {  	_ =	shalt  }
0x73: {  	_ =	shalt  }
0x74: {  	_ =	shalt  }
0x75: {  	_ =	shalt  }
0x76: {  	_ =	shalt  }
0x77: {  	_ =	shalt  }
0x78: {  	_ =	shalt  }
0x79: {  	_ =	shalt  }
0x7a: {  	_ =	shalt  }
0x7b: {  	_ =	shalt  }
0x7c: {  	_ =	shalt  }
0x7d: {  	_ =	shalt  }
0x7e: {  	_ =	shalt  }
0x7f: {  	_ =	shalt  }
0x80: {  	_ =	shalt  }
0x81: {  	_ =	shalt  }
0x82: {  	_ =	shalt  }
0x83: {  	_ =	shalt  }
0x84: {  	_ =	shalt  }
0x85: {  	_ =	shalt  }
0x86: {  	_ =	shalt  }
0x87: {  	_ =	shalt  }
.Lfunc_end0:
.L_simem_size_0:
called_computation.2_lowered:
.L_overlay_start_0:
0x88: {  	s2 =	sld [smem:$0x3FD9]  }
0x89: {  	s3 =	sld [smem:$0x3FFE];
	_ =	sdelay $0x1  }
0x8a: {  	s1 =	srdreg.scid  }
0x8b: {  	s0 =	sand.u32 $0x1, s1  }
0x8c: {  	s17 =	sshll.u32 s0, $0xA;
	s2 =	sadd.s32 s3, s2  }
0x8d: {  	s2 =	sadd.s32 s2, s17  }
0x8e: {  	[smem:$0x3FC1] =	sst s2  }
0x8f: {  	_ = 	snop  }
0x90: {  	s2 =	sld [smem:$0x3FD0];
	(tm) =	ssettm $0x1  }
0x91: {  	s18 =	sld [smem:$0x3FFB];
	_ =	sdelay $0x3  }
0x92: {  	_ =	strace s18  }
0x93: {  	s3 =	sld [smem:$0x3FFC];
	_ =	sdelay $0x3  }
0x94: {  	_ =	strace s3  }
0x95: {  	s3 =	sld [smem:$0x3FFD];
	_ =	sdelay $0x3  }
0x96: {  	_ =	strace s3  }
0x97: {  	_ =	strace $0x8FFFFFFF  }
0x98: {  	s19 =	sld [smem:$0x3FDB];
	_ =	sdelay $0x1  }
0x99: {  	s4 =	simm.s32 $_scs_section_size  }
0x9a: {  	s5 =	simm.s32 $_size__tile_overlayer_lowered;
	s6 =	simm.s32 $_tile_overlayer_lowered  }
0x9b: {  	s22 =	simm.s32 $0x1BFF;
	s21 =	sshll.u32 s6, $0x1;
	s3 =	sadd.s32 s4, s19  }
0x9c: {  	s7 =	simm.s32 $0x0;
	s20 =	sshll.u32 s5, $0x1;
	s5 =	sadd.s32 s21, s3  }
0x9d: {  	[timem:s7], [sflag:s22] =	dma.local [hbm:s5], s20  }
0x9e: {  	_ =	swait.ge [sflag:s22], s20  }
0x9f: {  	s4 =	ssub.s32 $0x0, s20;
	[sflag:s22] =	ssyncset.done $0x0  }
0xa0: {  	[sflag:s22] =	ssyncadd.s32 s4;
	_ =	sdelay $0x1  }
0xa1: {  	s23 =	simm.s32 $0x1B8B  }
0xa2: {  	_ =	swait.ge [sflag:s23], $0x1  }
0xa3: {  	[sflag:s23] =	ssyncset.done $0x0  }
0xa4: {  	s25 =	simm.s32 $0x1B8E;
	s24 =	sld [smem:$0x3FFE];
	[sflag:s23] =	ssyncadd.s32 $0xFFFFFFFF  }
0xa5: {  	s26 =	simm.s32 $execute0_lowered;
	[smem:$0x3FD2] =	sst s25  }
0xa6: {  	s5 =	sshll.u32 s26, $0x1;
	_ =	strace $0x8000004C;
	[dreg:$0x1] =	wrdreg $0xFFFFFFFF  }
0xa7: {  	s28 =	simm.s32 $_size_execute0_lowered;
	s3 =	sadd.s32 s3, s5;
	[dreg:$0x0] =	wrdreg $0x0  }
0xa8: {  	s5 =	sshll.u32 s28, $0x1;
	[dreg:$0x2] =	wrdreg s3  }
0xa9: {  	[dreg:$0x3] =	wrdreg s5  }
0xaa: {  	[dreg:$0x4] =	wrdreg $0xC0  }
0xab: {  	_ =	task [dreg:s7], $0x5FFFF  }
0xac: {  	[dreg:$0x1] =	wrdreg $0xFFFFFFFF  }
0xad: {  	[dreg:$0x0] =	wrdreg $0x60  }
0xae: {  	[dreg:$0x2] =	wrdreg s24  }
0xaf: {  	[dreg:$0x3] =	wrdreg s2  }
0xb0: {  	[dreg:$0x4] =	wrdreg $0xA0000  }
0xb1: {  	[dreg:$0x5] =	wrdreg $0x9  }
0xb2: {  	_ =	task.clear_ibuf [dreg:s7], $0x6FFFF;
	_ =	strace $0x9000004C  }
0xb3: {  	s29 =	simm.s32 $0x9;
	_ =	strace $0x8000004E  }
0xb4: {  	_ =	swait.ge [sflag:s29], $0x1  }
0xb5: {  	[sflag:s29] =	ssyncadd.s32 $0xFFFFFFFF  }
0xb6: {  	_ =	strace $0x9000004E  }
0xb7: {  	_ =	sfence  }
0xb8: {  	s30 =	sld [smem:$0x0];
	_ =	sdelay $0x2  }
0xb9: {  	s31 =	sshll.u32 s1, $0xD;
	s1 =	sshrl.u32 s1, $0x2  }
0xba: {  	s3 =	sand.u32 $0x4000, s31;
	s1 =	sadd.s32 s1, s30  }
0xbb: {  	s0 =	sor.u32 s3, s0;
	s1 =	sshll.u32 s1, $0x11  }
0xbc: {  	s0 =	sor.u32 s1, s0  }
0xbd: {  	s0 =	sadd.s32 $0x8F2B, s0  }
0xbe: {  	[sflag:s0] =	ssyncadd.remote.s32 $0x1  }
0xbf: {  	_ =	sfence.sel $0xFFFF  }
0xc0: {  	[dreg:$0x0] =	wrdreg $0xFFFFFFFF;
	(pc) =	sbr.abs _section_cstart, $3  }
0xc1: {  	[dreg:$0x1] =	wrdreg $0xFFFFFFFF  }
0xc2: {  	_ =	task.clear_ibuf [dreg:s7], $0x2FFFF;
	_ =	strace $0x9FFFFFFF  }
0xc3: {  	(tm) =	ssettm $0x7FFFFFFF  }
tec
execute0_lowered:
.L_overlay_start_1:
0x0: {  	(tag) =	ssettag $0x1  }
0x1: {  	s6 =	rddreg [dreg:$0x0]  }
0x2: {  	s2 =	rddreg [dreg:$0x1];
	s0 =	stileid.u32  }
0x3: {  	s1 =	srdreg.scid;
	s3 =	rddreg [dreg:$0x2];
	s4 =	simm.s32 $0x0  }
0x4: {  	s17 =	simm.s32 $0x6000;
	s18 =	simm.s32 $0x1;
	s7 =	smul.u32 $0x600, s0  }
0x5: {  	s8 =	sand.u32 $0x1, s1;
	s1 =	rddreg [dreg:$0x3];
	s10 =	smul.u32 $0x14000, s0  }
0x6: {  	[smem:$0x7FF] =	sst s4;
	s5 =	sadd.s32 $0x71800, s6;
	s12 =	smul.u32 $0x50000, s0  }
0x7: {  	s26 =	sshll.u32 s0, $0xA;
	s31 =	sshll.u32 s0, $0x6;
	s9 =	smul.u32 $0x140000, s8  }
0x8: {  	_ =	strace $0x8000004D;
	s28 =	ssub.s32 $0x2, s8;
	s13 =	sadd.s32 s26, s6  }
0x9: {  	p0 =	seq.s32 s8, $0x1;
	s11 =	sadd.s32 s7, s6;
	s29 =	sshrl.u32 s28, $0x1  }
0xa: {  	s30 =	sshrl.u32 s12, $0x2;
	s9 =	sadd.s32 s10, s9;
	s15 =	ssub.s32 s28, s29  }
.Ltmp0:
0xb: {  	s16 =	sadd.s32 s30, s3;
	s7 =	sadd.s32 $0x67800, s11;
	(pc) =	sbr.rel .LBB2_1-.Ltmp0, $4  }
0xc: {  	s8 =	sadd.s32 $0x5D800, s11;
	s10 =	sadd.s32 $0x63800, s13;
	s9 =	sshrl.u32 s9, $0x3  }
0xd: {  	s12 =	smax.u32 s15, $0x1;
	s15 =	simm.s32 $0x3000;
	s14 =	sadd.s32 s9, s6  }
0xe: {  	s6 =	sor.u32 $0x1C02, s31;
	s9 =	sadd.s32 $0x6D800, s13;
	s13 =	sshrl.u32 s16, $0x3  }
0xf: {  	s16 =	simm.s32 $0x80;
	s11 =	sadd.s32 $0x99800, s14;
	s14 =	simm.s32 $0x2  }
.LBB2_7:
0x10: {  	s19 =	sshra.s32 s19, $0x2;
	[sflag:s14] =	ssyncadd.s32 $0xFFFFC000  }
0x11: {  	[tilespmem:s17], [sflag:$0x1] =	stream.indirect.gather [hbm4b:s5+s16], $0x80, s19, s16, $0xb8;
	[tilespmem:$0x1E000] =	vst v63  }
0x12: {  	_ =	swait.ge [sflag:s18], $0x4000  }
0x13: {  	[sflag:s18] =	ssyncset.done $0x0  }
0x14: {  	s19 =	sadd.s32 $0x3000, s19;
	[sflag:s18] =	ssyncadd.s32 $0xFFFFC000  }
0x15: {  	[spmem:s3] =	stream.indirect.scatter.add.f32 [tilespmem:s17], [sflag:$0x2], $0x80, s19, s16, $0xb8;
	[tilespmem:$0x1E000] =	vst v63  }
0x16: {  	_ =	swait.ge [sflag:s14], $0x4000  }
0x17: {  	[sflag:s14] =	ssyncset.done $0x0  }
0x18: {  	[sflag:s14] =	ssyncadd.s32 $0xFFFFC000  }
.LBB2_8:
0x19: {  	s4 =	sadd.s32 $0x1, s4  }
0x1a: {  	p1 =	sne.s32 s4, s12  }
.Ltmp1:
0x1b: {  	[bflag:$0x0] =	sbarrier.arrive $0xFFFF;
	(pc) =	sbr.rel @!p1 .LBB2_9-.Ltmp1, $4  }
0x1c: {  	[hbm:s11], [sflag:s6] =	dma.local [spmem:s13], $0x2800  }
0x1d: {  	_ =	swait.ge [sflag:s14], $0x2800  }
0x1e: {  	[sflag:s14] =	ssyncset.done $0x0  }
0x1f: {  	[sflag:s14] =	ssyncadd.s32 $0xFFFFD800  }
.LBB2_1:
.Ltmp2:
0x20: {  	(pc) =	sbr.rel @!p0 .LBB2_2-.Ltmp2, $4  }
0x21: {  	[spmem:s13], [sflag:s6] =	dma.local [hbm:s2], $0x2800  }
0x22: {  	_ =	swait.ge [sflag:s14], $0x2800  }
0x23: {  	[sflag:s14] =	ssyncset.done $0x0  }
0x24: {  	s19 =	simm.s32 $0x0;
	[sflag:s14] =	ssyncadd.s32 $0xFFFFD800  }
0x25: {  	[tilespmem:s19], [sflag:$0x2] =	stream.linear.gather [hbm4b:s9+s19], $0x1F80, $0x38;
	[tilespmem:$0x1E000] =	vst v63  }
0x26: {  	_ =	swait.ge [sflag:s14], $0x1F80  }
0x27: {  	[sflag:s14] =	ssyncset.done $0x0  }
0x28: {  	[sflag:s14] =	ssyncadd.s32 $0xFFFFE080  }
0x29: {  	[tilespmem:s15], [sflag:$0x2] =	stream.linear.gather [hbm4b:s10+s19], $0x1F80, $0x38;
	[tilespmem:$0x1E000] =	vst v63  }
0x2a: {  	_ =	swait.ge [sflag:s14], $0x1F80  }
0x2b: {  	[sflag:s14] =	ssyncset.done $0x0  }
0x2c: {  	[sflag:s14] =	ssyncadd.s32 $0xFFFFE080  }
0x2d: {  	s30 =	simm.s32 $0x0;
	[bflag:$0x0] =	sbarrier.arrive $0xFFFF  }
0x2e: {  	[tilespmem:s17], [sflag:$0x1] =	stream.indirect.gather [hbm4b:s5+s16], $0x80, s30, s16, $0xb8;
	[tilespmem:$0x1E000] =	vst v63  }
0x2f: {  	_ =	swait.ge [sflag:s18], $0x4000  }
0x30: {  	[sflag:s18] =	ssyncset.done $0x0  }
0x31: {  	s31 =	simm.s32 $0x3000;
	[sflag:s18] =	ssyncadd.s32 $0xFFFFC000  }
0x32: {  	[spmem:s3] =	stream.indirect.scatter.add.f32 [tilespmem:s17], [sflag:$0x2], $0x80, s31, s16, $0xb8;
	[tilespmem:$0x1E000] =	vst v63  }
0x33: {  	_ =	swait.ge [sflag:s14], $0x4000  }
0x34: {  	s20 =	simm.s32 $0x400;
	s19 =	simm.s32 $0x200;
	[sflag:s14] =	ssyncset.done $0x0  }
.LBB2_6:
0x35: {  	s21 =	sshra.s32 s19, $0x2  }
0x36: {  	[sflag:s14] =	ssyncadd.s32 $0xFFFFC000;
	s19 =	smov.u32 s20;
	s22 =	sadd.s32 $0x200, s20  }
0x37: {  	[tilespmem:s17], [sflag:$0x1] =	stream.indirect.gather [hbm4b:s5+s16], $0x80, s21, s16, $0xb8;
	[tilespmem:$0x1E000] =	vst v63  }
0x38: {  	p1 =	sne.s32 s20, $0x7C00;
	_ =	swait.ge [sflag:s18], $0x4000  }
.Ltmp3:
0x39: {  	[sflag:s18] =	ssyncset.done $0x0;
	(pc) =	sbr.rel @p1 .LBB2_6-.Ltmp3, $4  }
0x3a: {  	s20 =	sadd.s32 $0x3000, s21;
	[sflag:s18] =	ssyncadd.s32 $0xFFFFC000  }
0x3b: {  	[spmem:s3] =	stream.indirect.scatter.add.f32 [tilespmem:s17], [sflag:$0x2], $0x80, s20, s16, $0xb8;
	[tilespmem:$0x1E000] =	vst v63  }
0x3c: {  	_ =	swait.ge [sflag:s14], $0x4000  }
0x3d: {  	s20 =	smov.u32 s22;
	[sflag:s14] =	ssyncset.done $0x0  }
.Ltmp4:
0x3e: {  	_ = 	snop;
	(pc) =	sbr.rel .LBB2_7-.Ltmp4, $1  }
0x3f: {  	_ =	sdelay $0x3  }
.LBB2_2:
0x40: {  	[tilespmem:s19], [sflag:$0x2] =	stream.linear.gather [hbm4b:s7+s19], $0x2F80, $0x38;
	[tilespmem:$0x1E000] =	vst v63  }
0x41: {  	_ =	swait.ge [sflag:s14], $0x2F80  }
0x42: {  	[sflag:s14] =	ssyncset.done $0x0  }
0x43: {  	[sflag:s14] =	ssyncadd.s32 $0xFFFFD080  }
0x44: {  	[tilespmem:s15], [sflag:$0x2] =	stream.linear.gather [hbm4b:s8+s19], $0x2F80, $0x38;
	[tilespmem:$0x1E000] =	vst v63  }
0x45: {  	_ =	swait.ge [sflag:s14], $0x2F80  }
0x46: {  	[sflag:s14] =	ssyncset.done $0x0  }
0x47: {  	[sflag:s14] =	ssyncadd.s32 $0xFFFFD080  }
0x48: {  	s30 =	simm.s32 $0x0;
	[bflag:$0x0] =	sbarrier.arrive $0xFFFF  }
0x49: {  	[tilespmem:s17], [sflag:$0x1] =	stream.indirect.gather [hbm4b:s5+s16], $0x80, s30, s16, $0xb8;
	[tilespmem:$0x1E000] =	vst v63  }
0x4a: {  	_ =	swait.ge [sflag:s18], $0x4000  }
0x4b: {  	[sflag:s18] =	ssyncset.done $0x0  }
0x4c: {  	s31 =	simm.s32 $0x3000;
	[sflag:s18] =	ssyncadd.s32 $0xFFFFC000  }
0x4d: {  	[spmem:s3] =	stream.indirect.scatter.add.f32 [tilespmem:s17], [sflag:$0x2], $0x80, s31, s16, $0xb8;
	[tilespmem:$0x1E000] =	vst v63  }
0x4e: {  	_ =	swait.ge [sflag:s14], $0x4000  }
0x4f: {  	s20 =	simm.s32 $0x400;
	s19 =	simm.s32 $0x200;
	[sflag:s14] =	ssyncset.done $0x0  }
.LBB2_3:
0x50: {  	s21 =	sshra.s32 s19, $0x2  }
0x51: {  	[sflag:s14] =	ssyncadd.s32 $0xFFFFC000;
	s19 =	smov.u32 s20;
	s22 =	sadd.s32 $0x200, s20  }
0x52: {  	[tilespmem:s17], [sflag:$0x1] =	stream.indirect.gather [hbm4b:s5+s16], $0x80, s21, s16, $0xb8;
	[tilespmem:$0x1E000] =	vst v63  }
0x53: {  	p1 =	seq.s32 s20, $0xBC00;
	_ =	swait.ge [sflag:s18], $0x4000  }
.Ltmp5:
0x54: {  	[sflag:s18] =	ssyncset.done $0x0;
	(pc) =	sbr.rel @!p1 .LBB2_3-.Ltmp5, $4  }
0x55: {  	s20 =	sadd.s32 $0x3000, s21;
	[sflag:s18] =	ssyncadd.s32 $0xFFFFC000  }
0x56: {  	[spmem:s3] =	stream.indirect.scatter.add.f32 [tilespmem:s17], [sflag:$0x2], $0x80, s20, s16, $0xb8;
	[tilespmem:$0x1E000] =	vst v63  }
0x57: {  	_ =	swait.ge [sflag:s14], $0x4000  }
0x58: {  	s20 =	smov.u32 s22;
	[sflag:s14] =	ssyncset.done $0x0  }
0x59: {  	s19 =	sshra.s32 s19, $0x2;
	[sflag:s14] =	ssyncadd.s32 $0xFFFFC000  }
0x5a: {  	[tilespmem:s17], [sflag:$0x1] =	stream.indirect.gather [hbm4b:s5+s16], $0x80, s19, s16, $0xb8;
	[tilespmem:$0x1E000] =	vst v63  }
0x5b: {  	_ =	swait.ge [sflag:s18], $0x4000  }
0x5c: {  	[sflag:s18] =	ssyncset.done $0x0  }
.Ltmp6:
0x5d: {  	s19 =	sadd.s32 $0x3000, s19;
	[sflag:s18] =	ssyncadd.s32 $0xFFFFC000;
	(pc) =	sbr.rel .LBB2_8-.Ltmp6, $4  }
0x5e: {  	[spmem:s3] =	stream.indirect.scatter.add.f32 [tilespmem:s17], [sflag:$0x2], $0x80, s19, s16, $0xb8;
	[tilespmem:$0x1E000] =	vst v63  }
0x5f: {  	_ =	swait.ge [sflag:s14], $0x4000  }
0x60: {  	[sflag:s14] =	ssyncset.done $0x0  }
0x61: {  	[sflag:s14] =	ssyncadd.s32 $0xFFFFC000  }
.LBB2_9:
0x62: {  	_ =	sfence.sel $0x180000  }
0x63: {  	[bflag:$0x0] =	sbarrier.arrive $0xFFFF  }
0x64: {  	p0 =	sne.s32 s0, $0x0;
	_ =	strace $0x9000004D  }
0x65: {  	s0 =	sadd.s32 @!p0 $0x100000, s1;
	[bflag:$0x2] =	sbarrier.arrive $0xFFFF  }
0x66: {  	[sflag:s0] =	ssyncadd.tile.s32 @!p0 $0x1;
	_ =	shalt  }
.Lfunc_end2:
_tile_overlayer_lowered:
.L_overlay_start_2:
0x67: {  	(tag) =	ssettag $0x2  }
0x68: {  	s0 =	rddreg [dreg:$0x0];
	s2 =	stileid.u32  }
0x69: {  	s1 =	rddreg [dreg:$0x1];
	p0 =	sne.s32 s2, $0x0  }
0x6a: {  	s3 =	rddreg [dreg:$0x2];
	[bflag:$0x3] =	sbarrier.arrive $0xFFFF;
	s2 =	simm.s32 @!p0 $0x1C02  }
0x6b: {  	[timem:s3], [sflag:s2] =	dma.local @!p0 [hbm:s0], s1  }
0x6c: {  	s0 =	simm.s32 @!p0 $0x2  }
0x6d: {  	_ =	swait.ge @!p0 [sflag:s0], s1  }
0x6e: {  	s1 =	ssub.s32 @!p0 $0x0, s1;
	[sflag:s0] =	ssyncset.done @!p0 $0x0  }
0x6f: {  	[sflag:s0] =	ssyncadd.s32 @!p0 s1  }
0x70: {  	[bflag:$0x3] =	sbarrier.arrive $0xFFFF  }
0x71: {  	_ =	shalt  }

// kernel: kernel.18.cloned.1.call-start
scs
__scs_entry_jumppad:
0x0: {  	(pc) =	sbr.rel $0x88, $3  }
0x1: {  	(tag) =	ssettag $0x0;
	lr =	simm.s32 $0x1  }
0x2: {  	[smem:$0x3F9A] =	sst lr;
	_ =	strace $0xD0000000  }
0x3: {  	_ = 	snop  }
0x4: {  	_ = 	snop  }
0x5: {  	_ = 	snop  }
0x6: {  	_ = 	snop  }
0x7: {  	_ = 	snop  }
__scs_overlays_trampoline_lowered:
0x8: {  	[smem:$0x3FA9] =	sst s0  }
0x9: {  	[smem:$0x3FAA] =	sst s1  }
0xa: {  	[smem:$0x3FAB] =	sst s2  }
0xb: {  	[smem:$0x3FAC] =	sst s3  }
0xc: {  	[smem:$0x3FAD] =	sst s4  }
0xd: {  	[smem:$0x3FAE] =	sst s5  }
0xe: {  	[smem:$0x3FAF] =	sst s6  }
0xf: {  	[smem:$0x3FB0] =	sst s7  }
0x10: {  	[smem:$0x3FB1] =	sst s8  }
0x11: {  	[smem:$0x3FB2] =	sst s9;
	s0 =	simm.s32 @!p0 $0x0  }
0x12: {  	s1 =	sld [smem:$0x3F98];
	s0 =	simm.s32 @p0 $0x1  }
0x13: {  	[smem:$0x3FB3] =	sst s0;
	s0 =	simm.s32 @!p1 $0x0  }
0x14: {  	s2 =	sld [smem:$0x3F97];
	s0 =	simm.s32 @p1 $0x1  }
0x15: {  	[smem:$0x3FB4] =	sst s0;
	s0 =	simm.s32 @!p2 $0x0  }
0x16: {  	s3 =	sld [smem:$0x3FDB];
	s0 =	simm.s32 @p2 $0x1  }
0x17: {  	s4 =	simm.s32 $0x1BF5;
	[smem:$0x3FB6] =	sst s0  }
0x18: {  	s0 =	sld [smem:$0x3F99];
	_ =	swait.ge [sflag:s4], $0x0  }
0x19: {  	s7 =	sld [smem:$0x3F9A]  }
0x1a: {  	s8 =	sadd.s32 $0xFFFFE003, lr  }
0x1b: {  	s9 =	sadd.s32 $0xFFFFFEF7, lr;
	s5 =	simm.s32 $0xFFFFFFFF;
	p2 =	slt.u32 s8, $0xFFFFF086  }
0x1c: {  	p1 =	slt.u32 s9, $0xF7A;
	s5 =	simm.s32 @!p2 $0x0  }
0x1d: {  	s5 =	simm.s32 @p1 $0x1;
	p0 =	seq.s32 s7, s2  }
0x1e: {  	s7 =	smul.u32 @!p0 $0xF7A, s2;
	p2 =	seq.s32 @!p0 s5, $0x0  }
0x1f: {  	s9 =	smul.u32 $0xF7A, s1;
	s8 =	simm.s32 @!p0 $0x1BF5;
	p2 =	por !p2, p0  }
0x20: {  	[sflag:s8] =	ssyncset.s32 @!p0 $0xFFFFF086;
	s6 =	sadd.s32 @!p0 s3, s7;
	s7 =	simm.s32 @!p0 $0x108  }
0x21: {  	s3 =	sadd.s32 s3, s9;
	s6 =	sadd.s32 @!p0 $0x88, s6;
	s7 =	simm.s32 @p2 $0x1082  }
0x22: {  	[simem:s7], [sflag:s8] =	dma.local @!p0 [hbm:s6], $0xF7A  }
0x23: {  	s9 =	sor.u32 $0xD0000000, s2;
	s6 =	simm.s32 $0x108;
	_ =	swait.ge @!p0 [sflag:s8], $0x0  }
0x24: {  	s3 =	sadd.s32 $0x88, s3;
	s6 =	simm.s32 @!p1 $0x1082;
	[sflag:s4] =	ssyncset.s32 $0xFFFFF086  }
0x25: {  	[simem:s6], [sflag:s4] =	dma.local [hbm:s3], $0xF7A  }
0x26: {  	[smem:$0x3F9A] =	sst s1;
	(tag) =	ssettag s2;
	_ =	strace s9  }
0x27: {  	s1 =	sld [smem:$0x3FAA]  }
0x28: {  	s2 =	sld [smem:$0x3FAB]  }
0x29: {  	s4 =	sld [smem:$0x3FAD]  }
0x2a: {  	p0 =	seq.s32 s5, $0x0;
	s5 =	sld [smem:$0x3FAE]  }
0x2b: {  	s6 =	sld [smem:$0x3FAF]  }
0x2c: {  	s7 =	sld [smem:$0x3FB0]  }
0x2d: {  	s3 =	simm.s32 $0x108;
	s8 =	sld [smem:$0x3FB1]  }
0x2e: {  	s3 =	simm.s32 @!p0 $0x1082;
	s9 =	sld [smem:$0x3FB2]  }
0x2f: {  	lr =	sadd.s32 s0, s3;
	s0 =	sld [smem:$0x3FA9]  }
0x30: {  	s3 =	sld [smem:$0x3FAC]  }
0x31: {  	[smem:$0x3FB5] =	sst s10  }
0x32: {  	s10 =	sld [smem:$0x3FB3];
	_ =	sdelay $0x3  }
0x33: {  	p0 =	seq.s32 s10, $0x1;
	s10 =	sld [smem:$0x3FB5];
	_ =	sdelay $0x3  }
0x34: {  	[smem:$0x3FB5] =	sst s10  }
0x35: {  	s10 =	sld [smem:$0x3FB4];
	_ =	sdelay $0x3  }
0x36: {  	p1 =	seq.s32 s10, $0x1;
	s10 =	sld [smem:$0x3FB5];
	_ =	sdelay $0x3  }
0x37: {  	[smem:$0x3FB5] =	sst s10  }
0x38: {  	s10 =	sld [smem:$0x3FB6]  }
0x39: {  	_ = 	snop;
	(pc) =	sbr.ind lr, $3  }
0x3a: {  	_ = 	snop  }
0x3b: {  	_ = 	snop  }
0x3c: {  	p2 =	seq.s32 s10, $0x1;
	s10 =	sld [smem:$0x3FB5]  }
0x3d: {  	_ =	shalt  }
0x3e: {  	_ =	shalt  }
0x3f: {  	_ =	shalt  }
0x40: {  	_ =	shalt  }
0x41: {  	_ =	shalt  }
0x42: {  	_ =	shalt  }
0x43: {  	_ =	shalt  }
0x44: {  	_ =	shalt  }
0x45: {  	_ =	shalt  }
0x46: {  	_ =	shalt  }
0x47: {  	_ =	shalt  }
0x48: {  	_ =	shalt  }
0x49: {  	_ =	shalt  }
0x4a: {  	_ =	shalt  }
0x4b: {  	_ =	shalt  }
0x4c: {  	_ =	shalt  }
0x4d: {  	_ =	shalt  }
0x4e: {  	_ =	shalt  }
0x4f: {  	_ =	shalt  }
0x50: {  	_ =	shalt  }
0x51: {  	_ =	shalt  }
0x52: {  	_ =	shalt  }
0x53: {  	_ =	shalt  }
0x54: {  	_ =	shalt  }
0x55: {  	_ =	shalt  }
0x56: {  	_ =	shalt  }
0x57: {  	_ =	shalt  }
0x58: {  	_ =	shalt  }
0x59: {  	_ =	shalt  }
0x5a: {  	_ =	shalt  }
0x5b: {  	_ =	shalt  }
0x5c: {  	_ =	shalt  }
0x5d: {  	_ =	shalt  }
0x5e: {  	_ =	shalt  }
0x5f: {  	_ =	shalt  }
0x60: {  	_ =	shalt  }
0x61: {  	_ =	shalt  }
0x62: {  	_ =	shalt  }
0x63: {  	_ =	shalt  }
0x64: {  	_ =	shalt  }
0x65: {  	_ =	shalt  }
0x66: {  	_ =	shalt  }
0x67: {  	_ =	shalt  }
0x68: {  	_ =	shalt  }
0x69: {  	_ =	shalt  }
0x6a: {  	_ =	shalt  }
0x6b: {  	_ =	shalt  }
0x6c: {  	_ =	shalt  }
0x6d: {  	_ =	shalt  }
0x6e: {  	_ =	shalt  }
0x6f: {  	_ =	shalt  }
0x70: {  	_ =	shalt  }
0x71: {  	_ =	shalt  }
0x72: {  	_ =	shalt  }
0x73: {  	_ =	shalt  }
0x74: {  	_ =	shalt  }
0x75: {  	_ =	shalt  }
0x76: {  	_ =	shalt  }
0x77: {  	_ =	shalt  }
0x78: {  	_ =	shalt  }
0x79: {  	_ =	shalt  }
0x7a: {  	_ =	shalt  }
0x7b: {  	_ =	shalt  }
0x7c: {  	_ =	shalt  }
0x7d: {  	_ =	shalt  }
0x7e: {  	_ =	shalt  }
0x7f: {  	_ =	shalt  }
0x80: {  	_ =	shalt  }
0x81: {  	_ =	shalt  }
0x82: {  	_ =	shalt  }
0x83: {  	_ =	shalt  }
0x84: {  	_ =	shalt  }
0x85: {  	_ =	shalt  }
0x86: {  	_ =	shalt  }
0x87: {  	_ =	shalt  }
.Lfunc_end0:
.L_simem_size_0:
called_computation.3_lowered:
.L_overlay_start_0:
0x88: {  	s2 =	sld [smem:$0x3FD9]  }
0x89: {  	s3 =	sld [smem:$0x3FFE];
	_ =	sdelay $0x1  }
0x8a: {  	s1 =	srdreg.scid  }
0x8b: {  	s0 =	sand.u32 $0x1, s1  }
0x8c: {  	s16 =	sshll.u32 s0, $0xA;
	s2 =	sadd.s32 s3, s2  }
0x8d: {  	s2 =	sadd.s32 s2, s16  }
0x8e: {  	[smem:$0x3FC1] =	sst s2  }
0x8f: {  	_ = 	snop  }
0x90: {  	(tm) =	ssettm $0x1  }
0x91: {  	s17 =	sld [smem:$0x3FFB];
	_ =	sdelay $0x3  }
0x92: {  	_ =	strace s17  }
0x93: {  	s2 =	sld [smem:$0x3FFC];
	_ =	sdelay $0x3  }
0x94: {  	_ =	strace s2  }
0x95: {  	s2 =	sld [smem:$0x3FFD];
	_ =	sdelay $0x3  }
0x96: {  	_ =	strace s2  }
0x97: {  	_ =	strace $0x8FFFFFFF  }
0x98: {  	s18 =	sld [smem:$0x3FDB];
	_ =	sdelay $0x1  }
0x99: {  	s19 =	simm.s32 $_scs_section_size  }
0x9a: {  	s4 =	simm.s32 $_size__tile_overlayer_lowered;
	s5 =	simm.s32 $_tile_overlayer_lowered  }
0x9b: {  	s22 =	simm.s32 $0x1BFF;
	s21 =	sshll.u32 s5, $0x1;
	s2 =	sadd.s32 s19, s18  }
0x9c: {  	s6 =	simm.s32 $0x0;
	s20 =	sshll.u32 s4, $0x1;
	s4 =	sadd.s32 s21, s2  }
0x9d: {  	[timem:s6], [sflag:s22] =	dma.local [hbm:s4], s20  }
0x9e: {  	_ =	swait.ge [sflag:s22], s20  }
0x9f: {  	s3 =	ssub.s32 $0x0, s20;
	[sflag:s22] =	ssyncset.done $0x0  }
0xa0: {  	[sflag:s22] =	ssyncadd.s32 s3;
	_ =	sdelay $0x1  }
0xa1: {  	s23 =	simm.s32 $0x1B8B  }
0xa2: {  	_ =	swait.ge [sflag:s23], $0x1  }
0xa3: {  	[sflag:s23] =	ssyncset.done $0x0  }
0xa4: {  	s25 =	simm.s32 $0x1B8E;
	s24 =	sld [smem:$0x3FFE];
	[sflag:s23] =	ssyncadd.s32 $0xFFFFFFFF  }
0xa5: {  	s26 =	simm.s32 $execute0_lowered;
	[smem:$0x3FD2] =	sst s25  }
0xa6: {  	s4 =	sshll.u32 s26, $0x1;
	_ =	strace $0x8000004F;
	[dreg:$0x1] =	wrdreg $0xFFFFFFFF  }
0xa7: {  	s28 =	simm.s32 $_size_execute0_lowered;
	s2 =	sadd.s32 s2, s4;
	[dreg:$0x0] =	wrdreg $0x0  }
0xa8: {  	s4 =	sshll.u32 s28, $0x1;
	[dreg:$0x2] =	wrdreg s2  }
0xa9: {  	[dreg:$0x3] =	wrdreg s4  }
0xaa: {  	[dreg:$0x4] =	wrdreg $0xC0  }
0xab: {  	_ =	task [dreg:s6], $0x5FFFF  }
0xac: {  	[dreg:$0x1] =	wrdreg $0xFFFFFFFF  }
0xad: {  	[dreg:$0x0] =	wrdreg $0x60  }
0xae: {  	[dreg:$0x2] =	wrdreg s24  }
0xaf: {  	[dreg:$0x3] =	wrdreg $0x9  }
0xb0: {  	_ =	task.clear_ibuf [dreg:s6], $0x4FFFF;
	_ =	strace $0x9000004F  }
0xb1: {  	s29 =	simm.s32 $0x9;
	_ =	strace $0x80000051  }
0xb2: {  	_ =	swait.ge [sflag:s29], $0x1  }
0xb3: {  	[sflag:s29] =	ssyncadd.s32 $0xFFFFFFFF  }
0xb4: {  	_ =	strace $0x90000051  }
0xb5: {  	_ =	sfence  }
0xb6: {  	s30 =	sld [smem:$0x0];
	_ =	sdelay $0x2  }
0xb7: {  	s31 =	sshll.u32 s1, $0xD;
	s1 =	sshrl.u32 s1, $0x2  }
0xb8: {  	s3 =	sand.u32 $0x4000, s31;
	s1 =	sadd.s32 s1, s30  }
0xb9: {  	s0 =	sor.u32 s3, s0;
	s1 =	sshll.u32 s1, $0x11  }
0xba: {  	s0 =	sor.u32 s1, s0  }
0xbb: {  	s0 =	sadd.s32 $0x8F2B, s0  }
0xbc: {  	[sflag:s0] =	ssyncadd.remote.s32 $0x1  }
0xbd: {  	_ =	sfence.sel $0xFFFF  }
0xbe: {  	[dreg:$0x0] =	wrdreg $0xFFFFFFFF;
	(pc) =	sbr.abs _section_cstart, $3  }
0xbf: {  	[dreg:$0x1] =	wrdreg $0xFFFFFFFF  }
0xc0: {  	_ =	task.clear_ibuf [dreg:s6], $0x2FFFF;
	_ =	strace $0x9FFFFFFF  }
0xc1: {  	(tm) =	ssettm $0x7FFFFFFF  }
tec
execute0_lowered:
.L_overlay_start_1:
0x0: {  	(tag) =	ssettag $0x1  }
0x1: {  	s4 =	rddreg [dreg:$0x0]  }
0x2: {  	s0 =	rddreg [dreg:$0x1];
	s2 =	simm.s32 $0x0;
	s3 =	srdreg.scid  }
0x3: {  	s1 =	stileid.u32;
	s9 =	simm.s32 $0x1000;
	s10 =	simm.s32 $0x80  }
0x4: {  	s11 =	simm.s32 $0x2000;
	s12 =	simm.s32 $0x1;
	s13 =	simm.s32 $0x6000  }
0x5: {  	s14 =	simm.s32 $0xA000;
	s15 =	simm.s32 $0x0;
	s3 =	sand.u32 $0x1, s3  }
0x6: {  	[smem:$0x7FF] =	sst s2;
	s6 =	sshll.u32 s1, $0x9;
	s5 =	sshll.u32 s3, $0xD  }
0x7: {  	s7 =	ssub.s32 $0x2, s3;
	_ =	strace $0x80000050;
	s5 =	sor.u32 s6, s5  }
0x8: {  	s3 =	sadd.s32 $0x3000, s4;
	s31 =	sshrl.u32 s7, $0x1;
	s8 =	sadd.s32 s5, s4  }
0x9: {  	s7 =	ssub.s32 s7, s31;
	s4 =	sadd.s32 $0x53000, s8;
	s5 =	sadd.s32 $0x57000, s8  }
0xa: {  	v0 =	vlaneseq.u32;
	s6 =	sadd.s32 $0x2B000, s8;
	s7 =	smax.u32 s7, $0x1;
	s8 =	simm.s32 $0x2  }
.LBB2_1:
0xb: {  	[tilespmem:s2], [sflag:$0x2] =	stream.linear.gather [hbm4b:s4+s2], $0xC80, $0x38;
	[tilespmem:$0xB000] =	vst v63  }
0xc: {  	_ =	swait.ge [sflag:s8], $0xC80  }
0xd: {  	[sflag:s8] =	ssyncset.done $0x0  }
0xe: {  	[sflag:s8] =	ssyncadd.s32 $0xFFFFF380  }
0xf: {  	[tilespmem:s9], [sflag:$0x2] =	stream.linear.gather [hbm4b:s5+s2], $0xC80, $0x38;
	[tilespmem:$0xB000] =	vst v63  }
0x10: {  	_ =	swait.ge [sflag:s8], $0xC80  }
0x11: {  	[sflag:s8] =	ssyncset.done $0x0  }
0x12: {  	s16 =	simm.s32 $0x0;
	[sflag:s8] =	ssyncadd.s32 $0xFFFFF380  }
.LBB2_2:
0x13: {  	s17 =	sshll.u32 s16, $0x7  }
0x14: {  	[tilespmem:s11], [sflag:$0x1] =	stream.indirect.gather [hbm4b:s3+s10], $0x80, s17, s10, $0xb8;
	[tilespmem:$0xB000] =	vst v63  }
0x15: {  	_ =	swait.ge [sflag:s12], $0x4000  }
0x16: {  	[sflag:s12] =	ssyncset.done $0x0  }
0x17: {  	s18 =	sadd.s32 $0x1000, s17;
	[sflag:s12] =	ssyncadd.s32 $0xFFFFC000  }
0x18: {  	[tilespmem:s13], [sflag:$0x1] =	stream.indirect.gather [hbm4b:s3+s10], $0x80, s18, s10, $0xb8;
	[tilespmem:$0xB000] =	vst v63  }
0x19: {  	s19 =	simm.s32 $0x6040;
	_ =	swait.ge [sflag:s12], $0x4000  }
0x1a: {  	s20 =	sadd.s32 $0xA000, s17;
	s17 =	simm.s32 $0x0;
	[sflag:s12] =	ssyncset.done $0x0  }
0x1b: {  	v1 =	vmov s20;
	s20 =	simm.s32 $0x0;
	s18 =	simm.s32 $0x2040;
	[sflag:s12] =	ssyncadd.s32 $0xFFFFC000  }
.LBB2_3:
0x1c: {  	v2 =	vld [tilespmem:s18+$0xFFFFFFC0]  }
0x1d: {  	v3 =	vld [tilespmem:s19+$0xFFFFFFC0]  }
0x1e: {  	v4 =	vld [tilespmem:s18+$0xFFFFFFD0]  }
0x1f: {  	v5 =	vld [tilespmem:s19+$0xFFFFFFD0]  }
0x20: {  	v6 =	vld [tilespmem:s18+$0xFFFFFFE0]  }
0x21: {  	v7 =	vld [tilespmem:s19+$0xFFFFFFE0]  }
0x22: {  	v8 =	vld [tilespmem:s18+$0xFFFFFFF0]  }
0x23: {  	v9 =	vld [tilespmem:s19+$0xFFFFFFF0]  }
0x24: {  	v2 =	vmul.f32 v3, v2;
	v3 =	vmul.f32 v5, v4;
	v4 =	vld [tilespmem:s18+$0x0]  }
0x25: {  	v5 =	vld [tilespmem:s19+$0x0]  }
0x26: {  	v2 =	vadd.f32 v3, v2;
	v3 =	vmul.f32 v7, v6;
	v6 =	vld [tilespmem:s18+$0x10]  }
0x27: {  	v7 =	vld [tilespmem:s19+$0x10]  }
0x28: {  	v2 =	vadd.f32 v3, v2;
	v3 =	vmul.f32 v9, v8;
	v8 =	vld [tilespmem:s18+$0x20]  }
0x29: {  	v9 =	vld [tilespmem:s19+$0x20]  }
0x2a: {  	v2 =	vadd.f32 v3, v2;
	v3 =	vmul.f32 v5, v4;
	v4 =	vld [tilespmem:s18+$0x30]  }
0x2b: {  	s21 =	sadd.s32 $0x80, s18;
	v5 =	vld [tilespmem:s19+$0x30]  }
0x2c: {  	s22 =	sadd.s32 $0x80, s19;
	v10 =	vld [tilespmem:s21+$0xFFFFFFC0];
	v2 =	vadd.f32 v3, v2;
	v3 =	vmul.f32 v7, v6  }
0x2d: {  	v6 =	vld [tilespmem:s22+$0xFFFFFFC0]  }
0x2e: {  	v7 =	vld [tilespmem:s21+$0xFFFFFFD0];
	v2 =	vadd.f32 v3, v2;
	v3 =	vmul.f32 v9, v8  }
0x2f: {  	v8 =	vld [tilespmem:s22+$0xFFFFFFD0]  }
0x30: {  	v9 =	vld [tilespmem:s21+$0xFFFFFFE0];
	v2 =	vadd.f32 v3, v2;
	v3 =	vmul.f32 v5, v4  }
0x31: {  	v4 =	vld [tilespmem:s22+$0xFFFFFFE0]  }
0x32: {  	v5 =	vld [tilespmem:s21+$0xFFFFFFF0];
	v2 =	vadd.f32 v3, v2  }
0x33: {  	v3 =	vld [tilespmem:s22+$0xFFFFFFF0]  }
0x34: {  	v6 =	vmul.f32 v6, v10;
	v7 =	vmul.f32 v8, v7;
	v8 =	vld [tilespmem:s21+$0x0];
	(xrf2) =	vadd.scan.msk.f32 $0xffff, v2  }
0x35: {  	v2 =	vld [tilespmem:s22+$0x0]  }
0x36: {  	v6 =	vadd.f32 v7, v6;
	v4 =	vmul.f32 v4, v9;
	v7 =	vld [tilespmem:s21+$0x10]  }
0x37: {  	v9 =	vld [tilespmem:s22+$0x10]  }
0x38: {  	v11 =	vld [tilespmem:s22+$0x20];
	v4 =	vadd.f32 v4, v6;
	v3 =	vmul.f32 v3, v5  }
0x39: {  	v6 =	vld [tilespmem:s21+$0x20]  }
0x3a: {  	v10 =	vadd.f32 v3, v4;
	v2 =	vmul.f32 v2, v8;
	v3 =	vld [tilespmem:s21+$0x30]  }
0x3b: {  	s24 =	sadd.s32 $0x80, s22;
	v4 =	vld [tilespmem:s22+$0x30]  }
0x3c: {  	s23 =	sadd.s32 $0x80, s21;
	v12 =	vld [tilespmem:s24+$0xFFFFFFD0];
	v7 =	vmul.f32 v9, v7;
	v8 =	vadd.f32 v2, v10  }
0x3d: {  	v5 =	vld [tilespmem:s23+$0xFFFFFFC0]  }
0x3e: {  	v9 =	vld [tilespmem:s24+$0xFFFFFFC0];
	v11 =	vmul.f32 v11, v6;
	v7 =	vadd.f32 v7, v8;
	v13, _, _ =	vpop (xrf2)  }
0x3f: {  	s25 =	simm.s32 $0x3;
	s22 =	simm.s32 $0x1;
	s21 =	simm.s32 $0x2;
	v2 =	vimm.f32 $0.0e+00;
	v10 =	vld [tilespmem:s23+$0xFFFFFFD0];
	v8 =	vmov s17;
	v6 =	vbroadcast v13, $0xF  }
.LBB2_4:
0x40: {  	p0 =	sne.s32 s25, $0xF;
	v13 =	vld [tilespmem:s23+$0xFFFFFFE0];
	v7 =	vadd.f32 v11, v7;
	v3 =	vmul.f32 v4, v3;
	vm0 =	veq.s32 v8, v0  }
0x41: {  	v4 =	vld [tilespmem:s24+$0xFFFFFFE0];
	v2 =	vsel vm0, v6, v2  }
0x42: {  	v6 =	vld [tilespmem:s23+$0xFFFFFFF0];
	v3 =	vadd.f32 v3, v7  }
0x43: {  	v7 =	vld [tilespmem:s24+$0xFFFFFFF0]  }
0x44: {  	v5 =	vmul.f32 v9, v5;
	v8 =	vmul.f32 v12, v10;
	v9 =	vld [tilespmem:s23+$0x0];
	(xrf2) =	vadd.scan.msk.f32 $0xffff, v3  }
0x45: {  	v3 =	vld [tilespmem:s24+$0x0]  }
0x46: {  	v5 =	vadd.f32 v8, v5;
	v4 =	vmul.f32 v4, v13;
	v8 =	vld [tilespmem:s23+$0x10]  }
0x47: {  	v10 =	vld [tilespmem:s24+$0x10]  }
0x48: {  	v4 =	vadd.f32 v4, v5;
	v5 =	vmul.f32 v7, v6;
	v6 =	vld [tilespmem:s23+$0x20]  }
0x49: {  	v11 =	vld [tilespmem:s24+$0x20]  }
0x4a: {  	v7 =	vadd.f32 v5, v4;
	v9 =	vmul.f32 v3, v9;
	v3 =	vld [tilespmem:s23+$0x30]  }
.Ltmp0:
0x4b: {  	s23 =	sadd.s32 $0x80, s23;
	v4 =	vld [tilespmem:s24+$0x30];
	(pc) =	sbr.rel @p0 .LBB2_4-.Ltmp0, $4  }
0x4c: {  	s24 =	sadd.s32 $0x80, s24;
	v5 =	vld [tilespmem:s23+$0xFFFFFFC0];
	v7 =	vadd.f32 v9, v7;
	v8 =	vmul.f32 v10, v8  }
0x4d: {  	v9 =	vld [tilespmem:s24+$0xFFFFFFC0]  }
0x4e: {  	v10 =	vld [tilespmem:s23+$0xFFFFFFD0];
	v7 =	vadd.f32 v8, v7;
	v11 =	vmul.f32 v11, v6;
	v6, _, _ =	vpop (xrf2)  }
0x4f: {  	v8 =	vmov s22;
	s22 =	smov.u32 s21;
	s21 =	smov.u32 s25;
	s25 =	sadd.s32 $0x1, s25;
	v12 =	vld [tilespmem:s24+$0xFFFFFFD0];
	v6 =	vbroadcast v6, $0xF  }
0x50: {  	v13 =	vld [tilespmem:s23+$0xFFFFFFE0]  }
0x51: {  	v14 =	vld [tilespmem:s24+$0xFFFFFFE0]  }
0x52: {  	v15 =	vld [tilespmem:s23+$0xFFFFFFF0]  }
0x53: {  	v16 =	vld [tilespmem:s24+$0xFFFFFFF0]  }
0x54: {  	v46 =	vld [tilespmem:s23+$0x0];
	v5 =	vmul.f32 v9, v5;
	v45 =	vmul.f32 v12, v10  }
0x55: {  	v47 =	vld [tilespmem:s24+$0x0]  }
0x56: {  	v49 =	vld [tilespmem:s23+$0x10];
	v48 =	vmul.f32 v14, v13;
	v5 =	vadd.f32 v45, v5  }
0x57: {  	v50 =	vld [tilespmem:s24+$0x10]  }
0x58: {  	v52 =	vld [tilespmem:s23+$0x20];
	v51 =	vmul.f32 v16, v15;
	v5 =	vadd.f32 v48, v5  }
0x59: {  	v53 =	vld [tilespmem:s24+$0x20]  }
0x5a: {  	v55 =	vld [tilespmem:s23+$0x30];
	v54 =	vmul.f32 v47, v46;
	v5 =	vadd.f32 v51, v5  }
0x5b: {  	v56 =	vld [tilespmem:s24+$0x30]  }
0x5c: {  	v57 =	vmul.f32 v50, v49;
	v5 =	vadd.f32 v54, v5;
	_ =	sdelay $0x1  }
0x5d: {  	v58 =	vmul.f32 v53, v52;
	v5 =	vadd.f32 v57, v5  }
0x5e: {  	v7 =	vadd.f32 v11, v7;
	v3 =	vmul.f32 v4, v3  }
0x5f: {  	v60 =	vmul.f32 v56, v55;
	v59 =	vadd.f32 v58, v5  }
0x60: {  	v3 =	vadd.f32 v3, v7  }
0x61: {  	v4 =	vadd.f32 v60, v59  }
0x62: {  	(xrf2) =	vadd.scan.msk.f32 $0xffff, v3  }
0x63: {  	(xrf2) =	vadd.scan.msk.f32 $0xffff, v4;
	_ =	sdelay $0x7  }
0x64: {  	s31 =	sshll.u32 s20, $0x4;
	s20 =	sadd.s32 $0x1, s20  }
0x65: {  	vm0 =	veq.s32 v8, v0;
	p0 =	sne.s32 s20, $0x8;
	v3, _, _ =	vpop (xrf2)  }
.Ltmp1:
0x66: {  	v61 =	vmov s22;
	v63 =	vmov s21;
	v3 =	vbroadcast v3, $0xF;
	v62, _, _ =	vpop (xrf2);
	(pc) =	sbr.rel @p0 .LBB2_3-.Ltmp1, $4  }
0x67: {  	v2 =	vsel vm0, v6, v2;
	vm14 =	veq.s32 v61, v0;
	v5 =	vbroadcast v62, $0xF  }
0x68: {  	vm15 =	veq.s32 v63, v0;
	v2 =	vsel vm14, v3, v2  }
0x69: {  	s21 =	sand.u32 $0x3FFFFFF0, s31;
	v2 =	vsel vm15, v5, v2  }
0x6a: {  	s18 =	sadd.s32 $0x800, s18;
	s19 =	sadd.s32 $0x800, s19;
	[tilespmem:v1+s21+$0x0 ss:$0x1] =	vst.idx.msk $0xffff, v2  }
0x6b: {  	s16 =	sadd.s32 $0x1, s16  }
0x6c: {  	p0 =	sne.s32 s16, $0x19  }
.Ltmp2:
0x6d: {  	_ = 	snop;
	(pc) =	sbr.rel @p0 .LBB2_2-.Ltmp2, $1  }
0x6e: {  	_ =	sdelay $0x3  }
0x6f: {  	s15 =	sadd.s32 $0x1, s15  }
0x70: {  	p0 =	sne.s32 s15, s7  }
.Ltmp3:
0x71: {  	_ = 	snop;
	(pc) =	sbr.rel @p0 .LBB2_1-.Ltmp3, $4  }
0x72: {  	[hbm4b:s6+s2] =	stream.linear.scatter [tilespmem:s14], [sflag:$0x2], $0xC80, $0x38;
	[tilespmem:$0xB000] =	vst v63  }
0x73: {  	_ =	swait.ge [sflag:s8], $0xC80  }
0x74: {  	[sflag:s8] =	ssyncset.done $0x0  }
0x75: {  	[sflag:s8] =	ssyncadd.s32 $0xFFFFF380  }
0x76: {  	_ =	sfence.sel $0x180000  }
0x77: {  	[bflag:$0x0] =	sbarrier.arrive $0xFFFF  }
0x78: {  	p0 =	sne.s32 s1, $0x0;
	_ =	strace $0x90000050  }
0x79: {  	s0 =	sadd.s32 @!p0 $0x100000, s0;
	[bflag:$0x2] =	sbarrier.arrive $0xFFFF  }
0x7a: {  	[sflag:s0] =	ssyncadd.tile.s32 @!p0 $0x1;
	_ =	shalt  }
.Lfunc_end2:
_tile_overlayer_lowered:
.L_overlay_start_2:
0x7b: {  	(tag) =	ssettag $0x2  }
0x7c: {  	s0 =	rddreg [dreg:$0x0];
	s2 =	stileid.u32  }
0x7d: {  	s1 =	rddreg [dreg:$0x1];
	p0 =	sne.s32 s2, $0x0  }
0x7e: {  	s3 =	rddreg [dreg:$0x2];
	[bflag:$0x3] =	sbarrier.arrive $0xFFFF;
	s2 =	simm.s32 @!p0 $0x1C02  }
0x7f: {  	[timem:s3], [sflag:s2] =	dma.local @!p0 [hbm:s0], s1  }
0x80: {  	s0 =	simm.s32 @!p0 $0x2  }
0x81: {  	_ =	swait.ge @!p0 [sflag:s0], s1  }
0x82: {  	s1 =	ssub.s32 @!p0 $0x0, s1;
	[sflag:s0] =	ssyncset.done @!p0 $0x0  }
0x83: {  	[sflag:s0] =	ssyncadd.s32 @!p0 s1  }
0x84: {  	[bflag:$0x3] =	sbarrier.arrive $0xFFFF  }
0x85: {  	_ =	shalt  }

// kernel: kernel.9.cloned.1.call-start
scs
__scs_entry_jumppad:
0x0: {  	(pc) =	sbr.rel $0x88, $3  }
0x1: {  	(tag) =	ssettag $0x0;
	lr =	simm.s32 $0x1  }
0x2: {  	[smem:$0x3F9A] =	sst lr;
	_ =	strace $0xD0000000  }
0x3: {  	_ = 	snop  }
0x4: {  	_ = 	snop  }
0x5: {  	_ = 	snop  }
0x6: {  	_ = 	snop  }
0x7: {  	_ = 	snop  }
__scs_overlays_trampoline_lowered:
0x8: {  	[smem:$0x3FA9] =	sst s0  }
0x9: {  	[smem:$0x3FAA] =	sst s1  }
0xa: {  	[smem:$0x3FAB] =	sst s2  }
0xb: {  	[smem:$0x3FAC] =	sst s3  }
0xc: {  	[smem:$0x3FAD] =	sst s4  }
0xd: {  	[smem:$0x3FAE] =	sst s5  }
0xe: {  	[smem:$0x3FAF] =	sst s6  }
0xf: {  	[smem:$0x3FB0] =	sst s7  }
0x10: {  	[smem:$0x3FB1] =	sst s8  }
0x11: {  	[smem:$0x3FB2] =	sst s9;
	s0 =	simm.s32 @!p0 $0x0  }
0x12: {  	s1 =	sld [smem:$0x3F98];
	s0 =	simm.s32 @p0 $0x1  }
0x13: {  	[smem:$0x3FB3] =	sst s0;
	s0 =	simm.s32 @!p1 $0x0  }
0x14: {  	s2 =	sld [smem:$0x3F97];
	s0 =	simm.s32 @p1 $0x1  }
0x15: {  	[smem:$0x3FB4] =	sst s0;
	s0 =	simm.s32 @!p2 $0x0  }
0x16: {  	s3 =	sld [smem:$0x3FDB];
	s0 =	simm.s32 @p2 $0x1  }
0x17: {  	s4 =	simm.s32 $0x1BF5;
	[smem:$0x3FB6] =	sst s0  }
0x18: {  	s0 =	sld [smem:$0x3F99];
	_ =	swait.ge [sflag:s4], $0x0  }
0x19: {  	s7 =	sld [smem:$0x3F9A]  }
0x1a: {  	s8 =	sadd.s32 $0xFFFFE003, lr  }
0x1b: {  	s9 =	sadd.s32 $0xFFFFFEF7, lr;
	s5 =	simm.s32 $0xFFFFFFFF;
	p2 =	slt.u32 s8, $0xFFFFF086  }
0x1c: {  	p1 =	slt.u32 s9, $0xF7A;
	s5 =	simm.s32 @!p2 $0x0  }
0x1d: {  	s5 =	simm.s32 @p1 $0x1;
	p0 =	seq.s32 s7, s2  }
0x1e: {  	s7 =	smul.u32 @!p0 $0xF7A, s2;
	p2 =	seq.s32 @!p0 s5, $0x0  }
0x1f: {  	s9 =	smul.u32 $0xF7A, s1;
	s8 =	simm.s32 @!p0 $0x1BF5;
	p2 =	por !p2, p0  }
0x20: {  	[sflag:s8] =	ssyncset.s32 @!p0 $0xFFFFF086;
	s6 =	sadd.s32 @!p0 s3, s7;
	s7 =	simm.s32 @!p0 $0x108  }
0x21: {  	s3 =	sadd.s32 s3, s9;
	s6 =	sadd.s32 @!p0 $0x88, s6;
	s7 =	simm.s32 @p2 $0x1082  }
0x22: {  	[simem:s7], [sflag:s8] =	dma.local @!p0 [hbm:s6], $0xF7A  }
0x23: {  	s9 =	sor.u32 $0xD0000000, s2;
	s6 =	simm.s32 $0x108;
	_ =	swait.ge @!p0 [sflag:s8], $0x0  }
0x24: {  	s3 =	sadd.s32 $0x88, s3;
	s6 =	simm.s32 @!p1 $0x1082;
	[sflag:s4] =	ssyncset.s32 $0xFFFFF086  }
0x25: {  	[simem:s6], [sflag:s4] =	dma.local [hbm:s3], $0xF7A  }
0x26: {  	[smem:$0x3F9A] =	sst s1;
	(tag) =	ssettag s2;
	_ =	strace s9  }
0x27: {  	s1 =	sld [smem:$0x3FAA]  }
0x28: {  	s2 =	sld [smem:$0x3FAB]  }
0x29: {  	s4 =	sld [smem:$0x3FAD]  }
0x2a: {  	p0 =	seq.s32 s5, $0x0;
	s5 =	sld [smem:$0x3FAE]  }
0x2b: {  	s6 =	sld [smem:$0x3FAF]  }
0x2c: {  	s7 =	sld [smem:$0x3FB0]  }
0x2d: {  	s3 =	simm.s32 $0x108;
	s8 =	sld [smem:$0x3FB1]  }
0x2e: {  	s3 =	simm.s32 @!p0 $0x1082;
	s9 =	sld [smem:$0x3FB2]  }
0x2f: {  	lr =	sadd.s32 s0, s3;
	s0 =	sld [smem:$0x3FA9]  }
0x30: {  	s3 =	sld [smem:$0x3FAC]  }
0x31: {  	[smem:$0x3FB5] =	sst s10  }
0x32: {  	s10 =	sld [smem:$0x3FB3];
	_ =	sdelay $0x3  }
0x33: {  	p0 =	seq.s32 s10, $0x1;
	s10 =	sld [smem:$0x3FB5];
	_ =	sdelay $0x3  }
0x34: {  	[smem:$0x3FB5] =	sst s10  }
0x35: {  	s10 =	sld [smem:$0x3FB4];
	_ =	sdelay $0x3  }
0x36: {  	p1 =	seq.s32 s10, $0x1;
	s10 =	sld [smem:$0x3FB5];
	_ =	sdelay $0x3  }
0x37: {  	[smem:$0x3FB5] =	sst s10  }
0x38: {  	s10 =	sld [smem:$0x3FB6]  }
0x39: {  	_ = 	snop;
	(pc) =	sbr.ind lr, $3  }
0x3a: {  	_ = 	snop  }
0x3b: {  	_ = 	snop  }
0x3c: {  	p2 =	seq.s32 s10, $0x1;
	s10 =	sld [smem:$0x3FB5]  }
0x3d: {  	_ =	shalt  }
0x3e: {  	_ =	shalt  }
0x3f: {  	_ =	shalt  }
0x40: {  	_ =	shalt  }
0x41: {  	_ =	shalt  }
0x42: {  	_ =	shalt  }
0x43: {  	_ =	shalt  }
0x44: {  	_ =	shalt  }
0x45: {  	_ =	shalt  }
0x46: {  	_ =	shalt  }
0x47: {  	_ =	shalt  }
0x48: {  	_ =	shalt  }
0x49: {  	_ =	shalt  }
0x4a: {  	_ =	shalt  }
0x4b: {  	_ =	shalt  }
0x4c: {  	_ =	shalt  }
0x4d: {  	_ =	shalt  }
0x4e: {  	_ =	shalt  }
0x4f: {  	_ =	shalt  }
0x50: {  	_ =	shalt  }
0x51: {  	_ =	shalt  }
0x52: {  	_ =	shalt  }
0x53: {  	_ =	shalt  }
0x54: {  	_ =	shalt  }
0x55: {  	_ =	shalt  }
0x56: {  	_ =	shalt  }
0x57: {  	_ =	shalt  }
0x58: {  	_ =	shalt  }
0x59: {  	_ =	shalt  }
0x5a: {  	_ =	shalt  }
0x5b: {  	_ =	shalt  }
0x5c: {  	_ =	shalt  }
0x5d: {  	_ =	shalt  }
0x5e: {  	_ =	shalt  }
0x5f: {  	_ =	shalt  }
0x60: {  	_ =	shalt  }
0x61: {  	_ =	shalt  }
0x62: {  	_ =	shalt  }
0x63: {  	_ =	shalt  }
0x64: {  	_ =	shalt  }
0x65: {  	_ =	shalt  }
0x66: {  	_ =	shalt  }
0x67: {  	_ =	shalt  }
0x68: {  	_ =	shalt  }
0x69: {  	_ =	shalt  }
0x6a: {  	_ =	shalt  }
0x6b: {  	_ =	shalt  }
0x6c: {  	_ =	shalt  }
0x6d: {  	_ =	shalt  }
0x6e: {  	_ =	shalt  }
0x6f: {  	_ =	shalt  }
0x70: {  	_ =	shalt  }
0x71: {  	_ =	shalt  }
0x72: {  	_ =	shalt  }
0x73: {  	_ =	shalt  }
0x74: {  	_ =	shalt  }
0x75: {  	_ =	shalt  }
0x76: {  	_ =	shalt  }
0x77: {  	_ =	shalt  }
0x78: {  	_ =	shalt  }
0x79: {  	_ =	shalt  }
0x7a: {  	_ =	shalt  }
0x7b: {  	_ =	shalt  }
0x7c: {  	_ =	shalt  }
0x7d: {  	_ =	shalt  }
0x7e: {  	_ =	shalt  }
0x7f: {  	_ =	shalt  }
0x80: {  	_ =	shalt  }
0x81: {  	_ =	shalt  }
0x82: {  	_ =	shalt  }
0x83: {  	_ =	shalt  }
0x84: {  	_ =	shalt  }
0x85: {  	_ =	shalt  }
0x86: {  	_ =	shalt  }
0x87: {  	_ =	shalt  }
.Lfunc_end0:
.L_simem_size_0:
called_computation_lowered:
.L_overlay_start_0:
0x88: {  	s2 =	sld [smem:$0x3FD9]  }
0x89: {  	s3 =	sld [smem:$0x3FFE];
	_ =	sdelay $0x1  }
0x8a: {  	s1 =	srdreg.scid  }
0x8b: {  	s0 =	sand.u32 $0x1, s1  }
0x8c: {  	s17 =	sshll.u32 s0, $0xA;
	s2 =	sadd.s32 s3, s2  }
0x8d: {  	s2 =	sadd.s32 s2, s17  }
0x8e: {  	[smem:$0x3FC1] =	sst s2  }
0x8f: {  	_ = 	snop  }
0x90: {  	s2 =	sld [smem:$0x3FD0];
	(tm) =	ssettm $0x1  }
0x91: {  	s18 =	sld [smem:$0x3FFB];
	_ =	sdelay $0x3  }
0x92: {  	_ =	strace s18  }
0x93: {  	s3 =	sld [smem:$0x3FFC];
	_ =	sdelay $0x3  }
0x94: {  	_ =	strace s3  }
0x95: {  	s3 =	sld [smem:$0x3FFD];
	_ =	sdelay $0x3  }
0x96: {  	_ =	strace s3  }
0x97: {  	_ =	strace $0x8FFFFFFF  }
0x98: {  	s19 =	sld [smem:$0x3FDB];
	_ =	sdelay $0x1  }
0x99: {  	s4 =	simm.s32 $_scs_section_size  }
0x9a: {  	s5 =	simm.s32 $_size__tile_overlayer_lowered;
	s6 =	simm.s32 $_tile_overlayer_lowered  }
0x9b: {  	s22 =	simm.s32 $0x1BFF;
	s21 =	sshll.u32 s6, $0x1;
	s3 =	sadd.s32 s4, s19  }
0x9c: {  	s7 =	simm.s32 $0x0;
	s20 =	sshll.u32 s5, $0x1;
	s5 =	sadd.s32 s21, s3  }
0x9d: {  	[timem:s7], [sflag:s22] =	dma.local [hbm:s5], s20  }
0x9e: {  	_ =	swait.ge [sflag:s22], s20  }
0x9f: {  	s4 =	ssub.s32 $0x0, s20;
	[sflag:s22] =	ssyncset.done $0x0  }
0xa0: {  	[sflag:s22] =	ssyncadd.s32 s4;
	_ =	sdelay $0x1  }
0xa1: {  	s23 =	simm.s32 $0x1B8B  }
0xa2: {  	_ =	swait.ge [sflag:s23], $0x1  }
0xa3: {  	[sflag:s23] =	ssyncset.done $0x0  }
0xa4: {  	s25 =	simm.s32 $0x1B8E;
	s24 =	sld [smem:$0x3FFE];
	[sflag:s23] =	ssyncadd.s32 $0xFFFFFFFF  }
0xa5: {  	s26 =	simm.s32 $execute0_lowered;
	[smem:$0x3FD2] =	sst s25  }
0xa6: {  	s5 =	sshll.u32 s26, $0x1;
	_ =	strace $0x80000046;
	[dreg:$0x1] =	wrdreg $0xFFFFFFFF  }
0xa7: {  	s28 =	simm.s32 $_size_execute0_lowered;
	s3 =	sadd.s32 s3, s5;
	[dreg:$0x0] =	wrdreg $0x0  }
0xa8: {  	s5 =	sshll.u32 s28, $0x1;
	[dreg:$0x2] =	wrdreg s3  }
0xa9: {  	[dreg:$0x3] =	wrdreg s5  }
0xaa: {  	[dreg:$0x4] =	wrdreg $0xC0  }
0xab: {  	_ =	task [dreg:s7], $0x5FFFF  }
0xac: {  	[dreg:$0x1] =	wrdreg $0xFFFFFFFF  }
0xad: {  	[dreg:$0x0] =	wrdreg $0x60  }
0xae: {  	[dreg:$0x2] =	wrdreg s24  }
0xaf: {  	[dreg:$0x3] =	wrdreg s2  }
0xb0: {  	[dreg:$0x4] =	wrdreg $0x68000  }
0xb1: {  	[dreg:$0x5] =	wrdreg $0x9  }
0xb2: {  	_ =	task.clear_ibuf [dreg:s7], $0x6FFFF;
	_ =	strace $0x90000046  }
0xb3: {  	s29 =	simm.s32 $0x9;
	_ =	strace $0x80000048  }
0xb4: {  	_ =	swait.ge [sflag:s29], $0x1  }
0xb5: {  	[sflag:s29] =	ssyncadd.s32 $0xFFFFFFFF  }
0xb6: {  	_ =	strace $0x90000048  }
0xb7: {  	_ =	sfence  }
0xb8: {  	s30 =	sld [smem:$0x0];
	_ =	sdelay $0x2  }
0xb9: {  	s31 =	sshll.u32 s1, $0xD;
	s1 =	sshrl.u32 s1, $0x2  }
0xba: {  	s3 =	sand.u32 $0x4000, s31;
	s1 =	sadd.s32 s1, s30  }
0xbb: {  	s0 =	sor.u32 s3, s0;
	s1 =	sshll.u32 s1, $0x11  }
0xbc: {  	s0 =	sor.u32 s1, s0  }
0xbd: {  	s0 =	sadd.s32 $0x8F2B, s0  }
0xbe: {  	[sflag:s0] =	ssyncadd.remote.s32 $0x1  }
0xbf: {  	_ =	sfence.sel $0xFFFF  }
0xc0: {  	[dreg:$0x0] =	wrdreg $0xFFFFFFFF;
	(pc) =	sbr.abs _section_cstart, $3  }
0xc1: {  	[dreg:$0x1] =	wrdreg $0xFFFFFFFF  }
0xc2: {  	_ =	task.clear_ibuf [dreg:s7], $0x2FFFF;
	_ =	strace $0x9FFFFFFF  }
0xc3: {  	(tm) =	ssettm $0x7FFFFFFF  }
tec
execute0_lowered:
.L_overlay_start_1:
0x0: {  	(tag) =	ssettag $0x1  }
0x1: {  	s6 =	rddreg [dreg:$0x0]  }
0x2: {  	s0 =	srdreg.scid;
	s2 =	rddreg [dreg:$0x1]  }
0x3: {  	s3 =	rddreg [dreg:$0x2];
	s7 =	sand.u32 $0x1, s0  }
0x4: {  	s0 =	stileid.u32;
	s5 =	smul.u32 $0x28000, s7  }
0x5: {  	s1 =	rddreg [dreg:$0x3];
	s4 =	simm.s32 $0x0;
	s8 =	smul.u32 $0x2800, s0  }
0x6: {  	s13 =	simm.s32 $0x80;
	[smem:$0x7FF] =	sst s4;
	s9 =	smul.u32 $0x140000, s7  }
0x7: {  	s14 =	simm.s32 $0x0;
	s28 =	smul.u32 $0x14000, s0;
	_ =	strace $0x80000047  }
0x8: {  	s29 =	smul.u32 $0x50000, s0;
	s7 =	ssub.s32 $0x2, s7;
	s31 =	sshll.u32 s0, $0x6  }
0x9: {  	s30 =	sshrl.u32 s7, $0x1;
	s5 =	sadd.s32 s8, s5;
	s8 =	sadd.s32 s28, s9  }
0xa: {  	s9 =	sshrl.u32 s29, $0x2;
	s11 =	ssub.s32 s7, s30;
	s5 =	sshrl.u32 s5, $0x3  }
0xb: {  	s8 =	sshrl.u32 s8, $0x3;
	s12 =	sadd.s32 s9, s3;
	s9 =	simm.s32 $0x1  }
0xc: {  	s10 =	sadd.s32 s5, s6;
	s5 =	sadd.s32 $0xD000, s6;
	s8 =	sadd.s32 s8, s6  }
0xd: {  	s12 =	sshrl.u32 s12, $0x3;
	s6 =	sadd.s32 $0x3000, s10;
	s7 =	sadd.s32 $0xD800, s8  }
0xe: {  	s8 =	smax.u32 s11, $0x1;
	s10 =	simm.s32 $0x2800;
	s11 =	sor.u32 $0x1C01, s31  }
.LBB2_1:
0xf: {  	[tilespmem:s4], [sflag:$0x1] =	stream.linear.gather [hbm4b:s6+s4], $0x2780, $0x38;
	[tilespmem:$0x1A800] =	vst v63  }
0x10: {  	_ =	swait.ge [sflag:s9], $0x2780  }
0x11: {  	[sflag:s9] =	ssyncset.done $0x0  }
0x12: {  	[sflag:s9] =	ssyncadd.s32 $0xFFFFD880  }
0x13: {  	[tilespmem:s10], [sflag:$0x1] =	stream.linear.gather [hbm4b:s5+s4], $0x4000, $0x38;
	[tilespmem:$0x1A800] =	vst v63  }
0x14: {  	_ =	swait.ge [sflag:s9], $0x4000  }
0x15: {  	[sflag:s9] =	ssyncset.done $0x0  }
0x16: {  	[sflag:s9] =	ssyncadd.s32 $0xFFFFC000  }
0x17: {  	[spmem:s12], [sflag:s11] =	dma.local [hbm:s2], $0x2800  }
0x18: {  	_ =	swait.ge [sflag:s9], $0x2800  }
0x19: {  	[sflag:s9] =	ssyncset.done $0x0  }
0x1a: {  	[sflag:s9] =	ssyncadd.s32 $0xFFFFD800  }
0x1b: {  	s15 =	simm.s32 $0x0;
	[bflag:$0x0] =	sbarrier.arrive $0xFFFF  }
0x1c: {  	[spmem:s3] =	stream.indirect.scatter.add.f32 [tilespmem:s10], [sflag:$0x1], $0x80, s15, s13, $0xb8;
	[tilespmem:$0x1A800] =	vst v63  }
0x1d: {  	_ =	swait.ge [sflag:s9], $0x4000  }
0x1e: {  	s15 =	simm.s32 $0x200;
	[sflag:s9] =	ssyncset.done $0x0  }
.LBB2_2:
0x1f: {  	s16 =	sshra.s32 s15, $0x2;
	[sflag:s9] =	ssyncadd.s32 $0xFFFFC000;
	p0 =	sne.s32 s15, $0x9C00  }
0x20: {  	[spmem:s3] =	stream.indirect.scatter.add.f32 [tilespmem:s10], [sflag:$0x1], $0x80, s16, s13, $0xb8;
	[tilespmem:$0x1A800] =	vst v63  }
.Ltmp0:
0x21: {  	_ = 	snop;
	(pc) =	sbr.rel @p0 .LBB2_2-.Ltmp0, $4  }
0x22: {  	_ = 	snop  }
0x23: {  	s15 =	sadd.s32 $0x200, s15  }
0x24: {  	_ =	swait.ge [sflag:s9], $0x4000  }
0x25: {  	[sflag:s9] =	ssyncset.done $0x0  }
0x26: {  	s14 =	sadd.s32 $0x1, s14  }
0x27: {  	[sflag:s9] =	ssyncadd.s32 $0xFFFFC000;
	p0 =	sne.s32 s14, s8  }
.Ltmp1:
0x28: {  	[bflag:$0x0] =	sbarrier.arrive $0xFFFF;
	(pc) =	sbr.rel @p0 .LBB2_1-.Ltmp1, $4  }
0x29: {  	[hbm:s7], [sflag:s11] =	dma.local [spmem:s12], $0x2800  }
0x2a: {  	_ =	swait.ge [sflag:s9], $0x2800  }
0x2b: {  	[sflag:s9] =	ssyncset.done $0x0  }
0x2c: {  	[sflag:s9] =	ssyncadd.s32 $0xFFFFD800  }
0x2d: {  	_ =	sfence.sel $0x180000  }
0x2e: {  	[bflag:$0x0] =	sbarrier.arrive $0xFFFF  }
0x2f: {  	p0 =	sne.s32 s0, $0x0;
	_ =	strace $0x90000047  }
0x30: {  	s0 =	sadd.s32 @!p0 $0x100000, s1;
	[bflag:$0x2] =	sbarrier.arrive $0xFFFF  }
0x31: {  	[sflag:s0] =	ssyncadd.tile.s32 @!p0 $0x1;
	_ =	shalt  }
.Lfunc_end2:
_tile_overlayer_lowered:
.L_overlay_start_2:
0x32: {  	(tag) =	ssettag $0x2  }
0x33: {  	s0 =	rddreg [dreg:$0x0];
	s2 =	stileid.u32  }
0x34: {  	s1 =	rddreg [dreg:$0x1];
	p0 =	sne.s32 s2, $0x0  }
0x35: {  	s3 =	rddreg [dreg:$0x2];
	[bflag:$0x3] =	sbarrier.arrive $0xFFFF;
	s2 =	simm.s32 @!p0 $0x1C01  }
0x36: {  	[timem:s3], [sflag:s2] =	dma.local @!p0 [hbm:s0], s1  }
0x37: {  	s0 =	simm.s32 @!p0 $0x1  }
0x38: {  	_ =	swait.ge @!p0 [sflag:s0], s1  }
0x39: {  	s1 =	ssub.s32 @!p0 $0x0, s1;
	[sflag:s0] =	ssyncset.done @!p0 $0x0  }
0x3a: {  	[sflag:s0] =	ssyncadd.s32 @!p0 s1  }
0x3b: {  	[bflag:$0x3] =	sbarrier.arrive $0xFFFF  }
0x3c: {  	_ =	shalt  }

</sc_bundles>
